<compile_context>
chip_gen: v7x
topology: tpu7x:2x2x1
jax: 0.10.2.dev20260603
libtpu: 0.0.44.dev20260713+nightly
codegen_flags: <defaults>
</compile_context>

<pallas_src>
import functools

import jax
import jax.numpy as jnp
from jax import lax
from jax.experimental import pallas as pl
from jax.experimental.pallas import tpu as pltpu
from jax.experimental.pallas import tpu_sc as plsc

NC = 2
NS = 16
NW = NC * NS
CHUNK = 128
LANES = 16
SC_K = 2
BLK = 1000


def _lrelu(x):
    return jnp.where(x >= 0, x, 0.01 * x)


def _round_up(x, m):
    return (x + m - 1) // m * m


@functools.lru_cache(maxsize=None)
def _make_seg_scalar(NP, CPW):
    rpt = NP // NS
    mesh = plsc.VectorSubcoreMesh(core_axis_name="c", subcore_axis_name="s", num_cores=NC, num_subcores=NS)

    @functools.partial(
        pl.kernel,
        out_type=jax.ShapeDtypeStruct((NC, NP), jnp.float32),
        mesh=mesh,
        scratch_types=[
            pltpu.VMEM((CPW, CHUNK), jnp.int32),
            pltpu.VMEM((CPW, CHUNK), jnp.float32),
            pltpu.VMEM((rpt,), jnp.float32),
            pltpu.VMEM_SHARED((NP,), jnp.float32),
        ],
    )
    def seg_scalar(ew_hbm, dst_hbm, out_hbm, dst_all, ew_all, z_v, acc_sh):
        cid = lax.axis_index("c")
        sid = lax.axis_index("s")
        wid = sid * NC + cid

        def zero_body(i, carry):
            z_v[pl.ds(i * LANES, LANES)] = jnp.zeros((LANES,), jnp.float32)
            return carry

        lax.fori_loop(0, rpt // LANES, zero_body, 0)
        row0 = sid * rpt
        pltpu.sync_copy(z_v, acc_sh.at[pl.ds(row0, rpt)])
        plsc.subcore_barrier()

        pltpu.sync_copy(dst_hbm.at[wid], dst_all)
        pltpu.sync_copy(ew_hbm.at[wid], ew_all)

        def chunk_body(c, carry):
            pltpu.sync_copy(ew_all.at[c], acc_sh.at[dst_all.at[c]], add=True)
            return carry

        lax.fori_loop(0, CPW, chunk_body, 0)
        plsc.subcore_barrier()
        pltpu.sync_copy(acc_sh.at[pl.ds(row0, rpt)],
                        out_hbm.at[cid, pl.ds(row0, rpt)])

    return seg_scalar


@functools.lru_cache(maxsize=None)
def _make_seg_rows(NP, D, CPW0, CPW1):
    rpt = NP // NS
    ndump = rpt // CHUNK
    mesh = plsc.VectorSubcoreMesh(core_axis_name="c", subcore_axis_name="s", num_cores=NC, num_subcores=NS)

    @functools.partial(
        pl.kernel,
        out_type=jax.ShapeDtypeStruct((NC, NP, D), jnp.float32),
        mesh=mesh,
        scratch_types=[
            pltpu.VMEM((CHUNK,), jnp.int32),
            pltpu.VMEM((CHUNK,), jnp.int32),
            pltpu.VMEM((CHUNK, D), jnp.float32),
            pltpu.VMEM_SHARED((NP, D), jnp.float32),
            pltpu.SemaphoreType.DMA,
        ],
    )
    def seg_rows(t_hbm, src_hbm, dst_hbm, out_hbm, src_v, dst_v, rows_v,
                 acc_sh, sem):
        cid = lax.axis_index("c")
        sid = lax.axis_index("s")

        def zero_body(r, carry):
            for j in range(D // LANES):
                rows_v[r, pl.ds(j * LANES, LANES)] = jnp.zeros(
                    (LANES,), jnp.float32)
            return carry

        lax.fori_loop(0, CHUNK, zero_body, 0)
        row0 = sid * rpt
        for k in range(ndump):
            pltpu.sync_copy(rows_v, acc_sh.at[pl.ds(row0 + k * CHUNK, CHUNK)])
        plsc.subcore_barrier()

        nch = jnp.where(cid == 0, CPW0, CPW1)
        ebase = jnp.where(cid == 0, sid * CPW0,
                          NS * CPW0 + sid * CPW1) * CHUNK

        def chunk_body(c, carry):
            off = ebase + c * CHUNK
            pltpu.sync_copy(src_hbm.at[pl.ds(off, CHUNK)], src_v)
            pltpu.sync_copy(dst_hbm.at[pl.ds(off, CHUNK)], dst_v)
            pltpu.async_copy(t_hbm.at[src_v], rows_v, sem).wait()
            pltpu.sync_copy(rows_v, acc_sh.at[dst_v], add=True)
            return carry

        lax.fori_loop(0, nch, chunk_body, 0)
        plsc.subcore_barrier()
        for k in range(ndump):
            r = row0 + k * CHUNK
            pltpu.sync_copy(acc_sh.at[pl.ds(r, CHUNK)],
                            out_hbm.at[cid, pl.ds(r, CHUNK)])

    return seg_rows


def _dotT(a, b):
    return lax.dot_general(a, b, (((1,), (1,)), ((), ())),
                           preferred_element_type=jnp.float32)


def _k1_body(feat_ref, p0_ref, p1_ref, wsel_ref, wnbw_ref, wew_ref,
             selw_ref, swc_ref, emb_ref):
    isel = (feat_ref[...] != 0).astype(jnp.float32)
    segew = p0_ref[...] + p1_ref[...]
    swmat = segew * _lrelu(wew_ref[...])
    swc = _dotT(swmat, wnbw_ref[...])
    selw = isel * wsel_ref[...]
    selw_ref[...] = selw
    swc_ref[...] = swc
    emb_ref[...] = _lrelu(selw + swc)


def _k2_body(selw_ref, swc_ref, p0_ref, p1_ref, wp_ref, emb_ref):
    pnb = _dotT(p0_ref[...] + p1_ref[...], wp_ref[...])
    emb_ref[...] = _lrelu((selw_ref[...] + pnb) + swc_ref[...])


def _k3_body(selw_ref, swc_ref, p0_ref, p1_ref, wp_ref, wqa_ref,
             emb_ref, act_ref):
    pnb = _dotT(p0_ref[...] + p1_ref[...], wp_ref[...])
    e = _lrelu((selw_ref[...] + pnb) + swc_ref[...])
    emb_ref[...] = e
    act_ref[...] = _dotT(e, wqa_ref[...])


def _row_spec(D):
    return pl.BlockSpec((BLK, D), lambda i: (i, 0))


def _full_spec(r, c):
    return pl.BlockSpec((r, c), lambda i: (0, 0))


@functools.lru_cache(maxsize=None)
def _make_tc_kernels(N, D):
    grid = (N // BLK,)
    f32 = jnp.float32
    k1 = pl.pallas_call(
        _k1_body, grid=grid,
        in_specs=[_row_spec(1), _row_spec(1), _row_spec(1),
                  _full_spec(1, D), _full_spec(D, D), _full_spec(1, D)],
        out_specs=[_row_spec(D), _row_spec(D), _row_spec(D)],
        out_shape=[jax.ShapeDtypeStruct((N, D), f32),
                   jax.ShapeDtypeStruct((N, D), f32),
                   jax.ShapeDtypeStruct((N, D), f32)],
    )
    k2 = pl.pallas_call(
        _k2_body, grid=grid,
        in_specs=[_row_spec(D), _row_spec(D), _row_spec(D), _row_spec(D),
                  _full_spec(D, D)],
        out_specs=_row_spec(D),
        out_shape=jax.ShapeDtypeStruct((N, D), f32),
    )
    k3 = pl.pallas_call(
        _k3_body, grid=grid,
        in_specs=[_row_spec(D), _row_spec(D), _row_spec(D), _row_spec(D),
                  _full_spec(D, D), _full_spec(D, D)],
        out_specs=[_row_spec(D), _row_spec(D)],
        out_shape=[jax.ShapeDtypeStruct((N, D), f32),
                   jax.ShapeDtypeStruct((N, D), f32)],
    )
    return k1, k2, k3


def kernel(features, edge_index, edge_weights, w_selected, w_nbpriors,
           w_nbweights, w_nbweights_ew, w_q_reduc, w_q_allembed, w_q_action):
    N = features.shape[0]
    D = w_selected.shape[0]
    E = edge_weights.shape[0]
    NP = _round_up(N + 1, NS * LANES)
    CPWA = -(-E // (NW * CHUNK))
    EPA = CPWA * NW * CHUNK
    TCH = -(-E // CHUNK)
    CPW0 = max(1, (TCH * 100 // 157) // NS)
    CPW1 = -(-(TCH - NS * CPW0) // NS)
    EP = NS * (CPW0 + CPW1) * CHUNK

    dst = edge_index[0]
    src = edge_index[1]

    def padded(x, n, fill):
        return jnp.concatenate([x, jnp.full((n - E,), fill, x.dtype)])

    src_p = padded(src, EP, 0)
    dst_p = padded(dst, EP, N)
    ew_a = padded(edge_weights, EPA, 0.0).reshape(NW, CPWA, CHUNK)
    dst_a = padded(dst, EPA, N).reshape(NW, CPWA, CHUNK)

    k1, k2, k3 = _make_tc_kernels(N, D)
    seg_scalar = _make_seg_scalar(NP, CPWA)
    seg_rows = _make_seg_rows(NP, D, CPW0, CPW1)

    seg_ew = seg_scalar(ew_a, dst_a)
    selw, swc, emb = k1(features[:, None], seg_ew[0, :N, None],
                        seg_ew[1, :N, None], w_selected[None], w_nbweights,
                        w_nbweights_ew[None])
    pb = seg_rows(emb, src_p, dst_p)
    emb = k2(selw, swc, pb[0, :N], pb[1, :N], w_nbpriors)
    pb = seg_rows(emb, src_p, dst_p)
    emb, act = k3(selw, swc, pb[0, :N], pb[1, :N], w_nbpriors, w_q_action)
    sumembed = w_q_allembed @ jnp.sum(emb, axis=0)
    cat = jnp.concatenate(
        [jnp.broadcast_to(sumembed[None, :], (N, D)), act], axis=1)
    q_vals = jax.nn.leaky_relu(cat) @ w_q_reduc.T
    return q_vals, emb

# --- scband reference (transcript-rebuilt; emitter-appended) ---
"""Pipeline reference for scband-graph-embedder-44598940402225 (READ-ONLY COPY).

The authoritative reference and input builder live on the scoring server;
editing this copy changes nothing except your own understanding.
"""

import jax, jax.numpy as jnp
import numpy as np

N = 10000
E = 320000
D = 128
ITERS = 3

def setup_inputs(seed: int = 0) -> dict:
    key = jax.random.key(seed)
    ks = jax.random.split(key, 12)
    features = jax.random.randint(ks[0], (N,), 0, 2, dtype=jnp.int32)
    edge_index = jax.random.randint(ks[1], (2, E), 0, N, dtype=jnp.int32)
    edge_weights = jax.random.uniform(ks[2], (E,), dtype=jnp.float32)
    w_selected = jax.random.normal(ks[3], (D,), dtype=jnp.float32)
    w_nbpriors = jax.random.normal(ks[4], (D, D), dtype=jnp.float32)
    w_nbweights = jax.random.normal(ks[5], (D, D), dtype=jnp.float32)
    w_nbweights_ew = jax.random.normal(ks[6], (D,), dtype=jnp.float32)
    w_q_reduc = jax.random.normal(ks[7], (1, 2 * D), dtype=jnp.float32)
    w_q_allembed = jax.random.normal(ks[8], (D, D), dtype=jnp.float32)
    w_q_action = jax.random.normal(ks[9], (D, D), dtype=jnp.float32)
    return {"features": features, "edge_index": edge_index, "edge_weights": edge_weights,
            "w_selected": w_selected, "w_nbpriors": w_nbpriors, "w_nbweights": w_nbweights,
            "w_nbweights_ew": w_nbweights_ew, "w_q_reduc": w_q_reduc,
            "w_q_allembed": w_q_allembed, "w_q_action": w_q_action}

def reference(features, edge_index, edge_weights, w_selected, w_nbpriors, w_nbweights,
              w_nbweights_ew, w_q_reduc, w_q_allembed, w_q_action):
    # edge (dst=node, src=nbr) replicates adjacency[node] -> nbrs
    dst = edge_index[0]
    src = edge_index[1]
    is_selected = (features != 0).astype(jnp.float32)  # 1.0 if features[node] else 0.0
    embeddings = jnp.zeros((N, D), dtype=jnp.float32)
    for t in range(ITERS):
        # sum_nb[node] = sum over nbrs of embeddings[nbr]  (gather + scatter-add)
        msg = jnp.take(embeddings, src, axis=0)
        sum_nb = jax.ops.segment_sum(msg, dst, num_segments=N)
        # sum_weights[node] = sum over nbrs leaky_relu(w_nbweights_ew * weight)
        sw_msg = jax.nn.leaky_relu(edge_weights[:, None] * w_nbweights_ew[None, :])
        sum_weights = jax.ops.segment_sum(sw_msg, dst, num_segments=N)
        sum_nb = sum_nb @ w_nbpriors.T          # mv(w_nbpriors, sum_nb) per node
        sum_weights = sum_weights @ w_nbweights.T
        embeddings = jax.nn.leaky_relu(is_selected[:, None] * w_selected[None, :] + sum_nb + sum_weights)
    sumembed = w_q_allembed @ jnp.sum(embeddings, axis=0)
    action = embeddings @ w_q_action.T          # mv(w_q_action, embeddings[i]) per node
    cat = jnp.concatenate([jnp.broadcast_to(sumembed[None, :], (N, D)), action], axis=1)
    q_vals = jax.nn.leaky_relu(cat) @ w_q_reduc.T  # [N, 1]
    return q_vals, embeddings

if __name__ == "__main__":
    import jax
    _d = setup_inputs()
    print(jax.jit(kernel)(*tuple(_d.values())))

</pallas_src>

<mosaic_0001>
#map = affine_map<(d0, d1) -> (0, 0)>
#map1 = affine_map<(d0, d1) -> (0)>
#map2 = affine_map<(d0, d1) -> (0, 0, 0)>
module attributes {stable_mosaic.version = 14 : i64} {
  func.func @seg_rows(%arg0: i32, %arg1: i32, %arg2: memref<10000x128xf32, #tpu.memory_space<hbm>>, %arg3: memref<321536xi32, #tpu.memory_space<hbm>>, %arg4: memref<321536xi32, #tpu.memory_space<hbm>>, %arg5: memref<2x10240x128xf32, #tpu.memory_space<hbm>>, %arg6: memref<128xi32, #tpu.memory_space<vmem>>, %arg7: memref<128xi32, #tpu.memory_space<vmem>>, %arg8: memref<128x128xf32, #tpu.memory_space<vmem>>, %arg9: memref<10240x128xf32, #tpu.memory_space<vmem_shared>>, %arg10: memref<!tpu.dma_semaphore, #tpu.memory_space<semaphore_mem>>) attributes {dimension_semantics = [#tpu.dimension_semantics<core_parallel>, #tpu.dimension_semantics<subcore_parallel>], iteration_bounds = array<i64: 2, 16>, scalar_prefetch = 0 : i64, scratch_operands = 5 : i64, tpu.core_type = #tpu.core_type<sc_vector_subcore>, window_params = [{transform_indices = #map}, {transform_indices = #map1}, {transform_indices = #map1}, {transform_indices = #map2}]} {
    %scan3A = arith.constant 0 : i32
    %scan3A_0 = arith.constant 0 : i32
    %scan3A_1 = arith.constant 128 : i32
    %scan3A_2 = arith.addi %scan3A_0, %scan3A_1 : i32
    %scan3A_3 = arith.constant 1 : i32
    scf.for %scan3A_48 = %scan3A_0 to %scan3A_2 step %scan3A_3  : i32 {
      %broadcast_in_dim3A = arith.constant 0.000000e+00 : f32
      %broadcast_in_dim3A_49 = vector.broadcast %broadcast_in_dim3A : f32 to vector<16xf32>
      %swap3A = arith.index_cast %scan3A_48 : i32 to index
      %swap3A_50 = arith.constant 0 : index
      %swap3A_51 = tpu.vector_load %arg8[%swap3A, %swap3A_50] {strides = array<i32>} : memref<128x128xf32, #tpu.memory_space<vmem>>, vector<1x16xf32>,
      %swap3A_52 = vector.shape_cast %swap3A_51 : vector<1x16xf32> to vector<16xf32>
      %swap3A_53 = vector.shape_cast %broadcast_in_dim3A_49 : vector<16xf32> to vector<1x16xf32>
      tpu.vector_store %arg8[%swap3A, %swap3A_50], %swap3A_53 {strides = array<i32>} : memref<128x128xf32, #tpu.memory_space<vmem>>, vector<1x16xf32>,
      %broadcast_in_dim3A_54 = arith.constant 0.000000e+00 : f32
      %broadcast_in_dim3A_55 = vector.broadcast %broadcast_in_dim3A_54 : f32 to vector<16xf32>
      %swap3A_56 = arith.index_cast %scan3A_48 : i32 to index
      %swap3A_57 = arith.constant 16 : index
      %swap3A_58 = tpu.vector_load %arg8[%swap3A_56, %swap3A_57] {strides = array<i32>} : memref<128x128xf32, #tpu.memory_space<vmem>>, vector<1x16xf32>,
      %swap3A_59 = vector.shape_cast %swap3A_58 : vector<1x16xf32> to vector<16xf32>
      %swap3A_60 = vector.shape_cast %broadcast_in_dim3A_55 : vector<16xf32> to vector<1x16xf32>
      tpu.vector_store %arg8[%swap3A_56, %swap3A_57], %swap3A_60 {strides = array<i32>} : memref<128x128xf32, #tpu.memory_space<vmem>>, vector<1x16xf32>,
      %broadcast_in_dim3A_61 = arith.constant 0.000000e+00 : f32
      %broadcast_in_dim3A_62 = vector.broadcast %broadcast_in_dim3A_61 : f32 to vector<16xf32>
      %swap3A_63 = arith.index_cast %scan3A_48 : i32 to index
      %swap3A_64 = arith.constant 32 : index
      %swap3A_65 = tpu.vector_load %arg8[%swap3A_63, %swap3A_64] {strides = array<i32>} : memref<128x128xf32, #tpu.memory_space<vmem>>, vector<1x16xf32>,
      %swap3A_66 = vector.shape_cast %swap3A_65 : vector<1x16xf32> to vector<16xf32>
      %swap3A_67 = vector.shape_cast %broadcast_in_dim3A_62 : vector<16xf32> to vector<1x16xf32>
      tpu.vector_store %arg8[%swap3A_63, %swap3A_64], %swap3A_67 {strides = array<i32>} : memref<128x128xf32, #tpu.memory_space<vmem>>, vector<1x16xf32>,
      %broadcast_in_dim3A_68 = arith.constant 0.000000e+00 : f32
      %broadcast_in_dim3A_69 = vector.broadcast %broadcast_in_dim3A_68 : f32 to vector<16xf32>
      %swap3A_70 = arith.index_cast %scan3A_48 : i32 to index
      %swap3A_71 = arith.constant 48 : index
      %swap3A_72 = tpu.vector_load %arg8[%swap3A_70, %swap3A_71] {strides = array<i32>} : memref<128x128xf32, #tpu.memory_space<vmem>>, vector<1x16xf32>,
      %swap3A_73 = vector.shape_cast %swap3A_72 : vector<1x16xf32> to vector<16xf32>
      %swap3A_74 = vector.shape_cast %broadcast_in_dim3A_69 : vector<16xf32> to vector<1x16xf32>
      tpu.vector_store %arg8[%swap3A_70, %swap3A_71], %swap3A_74 {strides = array<i32>} : memref<128x128xf32, #tpu.memory_space<vmem>>, vector<1x16xf32>,
      %broadcast_in_dim3A_75 = arith.constant 0.000000e+00 : f32
      %broadcast_in_dim3A_76 = vector.broadcast %broadcast_in_dim3A_75 : f32 to vector<16xf32>
      %swap3A_77 = arith.index_cast %scan3A_48 : i32 to index
      %swap3A_78 = arith.constant 64 : index
      %swap3A_79 = tpu.vector_load %arg8[%swap3A_77, %swap3A_78] {strides = array<i32>} : memref<128x128xf32, #tpu.memory_space<vmem>>, vector<1x16xf32>,
      %swap3A_80 = vector.shape_cast %swap3A_79 : vector<1x16xf32> to vector<16xf32>
      %swap3A_81 = vector.shape_cast %broadcast_in_dim3A_76 : vector<16xf32> to vector<1x16xf32>
      tpu.vector_store %arg8[%swap3A_77, %swap3A_78], %swap3A_81 {strides = array<i32>} : memref<128x128xf32, #tpu.memory_space<vmem>>, vector<1x16xf32>,
      %broadcast_in_dim3A_82 = arith.constant 0.000000e+00 : f32
      %broadcast_in_dim3A_83 = vector.broadcast %broadcast_in_dim3A_82 : f32 to vector<16xf32>
      %swap3A_84 = arith.index_cast %scan3A_48 : i32 to index
      %swap3A_85 = arith.constant 80 : index
      %swap3A_86 = tpu.vector_load %arg8[%swap3A_84, %swap3A_85] {strides = array<i32>} : memref<128x128xf32, #tpu.memory_space<vmem>>, vector<1x16xf32>,
      %swap3A_87 = vector.shape_cast %swap3A_86 : vector<1x16xf32> to vector<16xf32>
      %swap3A_88 = vector.shape_cast %broadcast_in_dim3A_83 : vector<16xf32> to vector<1x16xf32>
      tpu.vector_store %arg8[%swap3A_84, %swap3A_85], %swap3A_88 {strides = array<i32>} : memref<128x128xf32, #tpu.memory_space<vmem>>, vector<1x16xf32>,
      %broadcast_in_dim3A_89 = arith.constant 0.000000e+00 : f32
      %broadcast_in_dim3A_90 = vector.broadcast %broadcast_in_dim3A_89 : f32 to vector<16xf32>
      %swap3A_91 = arith.index_cast %scan3A_48 : i32 to index
      %swap3A_92 = arith.constant 96 : index
      %swap3A_93 = tpu.vector_load %arg8[%swap3A_91, %swap3A_92] {strides = array<i32>} : memref<128x128xf32, #tpu.memory_space<vmem>>, vector<1x16xf32>,
      %swap3A_94 = vector.shape_cast %swap3A_93 : vector<1x16xf32> to vector<16xf32>
      %swap3A_95 = vector.shape_cast %broadcast_in_dim3A_90 : vector<16xf32> to vector<1x16xf32>
      tpu.vector_store %arg8[%swap3A_91, %swap3A_92], %swap3A_95 {strides = array<i32>} : memref<128x128xf32, #tpu.memory_space<vmem>>, vector<1x16xf32>,
      %broadcast_in_dim3A_96 = arith.constant 0.000000e+00 : f32
      %broadcast_in_dim3A_97 = vector.broadcast %broadcast_in_dim3A_96 : f32 to vector<16xf32>
      %swap3A_98 = arith.index_cast %scan3A_48 : i32 to index
      %swap3A_99 = arith.constant 112 : index
      %swap3A_100 = tpu.vector_load %arg8[%swap3A_98, %swap3A_99] {strides = array<i32>} : memref<128x128xf32, #tpu.memory_space<vmem>>, vector<1x16xf32>,
      %swap3A_101 = vector.shape_cast %swap3A_100 : vector<1x16xf32> to vector<16xf32>
      %swap3A_102 = vector.shape_cast %broadcast_in_dim3A_97 : vector<16xf32> to vector<1x16xf32>
      tpu.vector_store %arg8[%swap3A_98, %swap3A_99], %swap3A_102 {strides = array<i32>} : memref<128x128xf32, #tpu.memory_space<vmem>>, vector<1x16xf32>,
    }
    %scan3A_4 = arith.constant 128 : i32
    %mul3A = arith.constant 640 : i32
    %mul3A_5 = arith.muli %arg1, %mul3A : i32
    %add3A = arith.constant 0 : i32
    %add3A_6 = arith.addi %mul3A_5, %add3A : i32
    "tpu.region"() ({
      %run_scoped3A = tpu.sem_alloc : memref<!tpu.dma_semaphore, #tpu.memory_space<semaphore_mem>>
      %dma_start3A = arith.constant 0 : i32
      %dma_start3A_48 = tpu.memref_slice %arg9[%add3A_6, %dma_start3A] : memref<10240x128xf32, #tpu.memory_space<vmem_shared>> -> memref<128x128xf32, #tpu.memory_space<vmem_shared>>
      %dma_start3A_49 = arith.constant 0 : i32
      %dma_start3A_50 = tpu.memref_slice %arg9[%add3A_6, %dma_start3A_49] : memref<10240x128xf32, #tpu.memory_space<vmem_shared>> -> memref<128x128xf32, #tpu.memory_space<vmem_shared>>
      tpu.enqueue_dma source(%arg8 : memref<128x128xf32, #tpu.memory_space<vmem>>) target(%dma_start3A_50 : memref<128x128xf32, #tpu.memory_space<vmem_shared>>) target_semaphore(%run_scoped3A : memref<!tpu.dma_semaphore, #tpu.memory_space<semaphore_mem>>)
      %dma_wait3A = arith.constant 0 : i32
      %dma_wait3A_51 = tpu.memref_slice %arg9[%add3A_6, %dma_wait3A] : memref<10240x128xf32, #tpu.memory_space<vmem_shared>> -> memref<128x128xf32, #tpu.memory_space<vmem_shared>>
      %dma_wait3A_52 = arith.constant 0 : i32
      %dma_wait3A_53 = tpu.memref_slice %arg9[%add3A_6, %dma_wait3A_52] : memref<10240x128xf32, #tpu.memory_space<vmem_shared>> -> memref<128x128xf32, #tpu.memory_space<vmem_shared>>
      tpu.wait_dma2 semaphore(%run_scoped3A : memref<!tpu.dma_semaphore, #tpu.memory_space<semaphore_mem>>) src(%arg8 : memref<128x128xf32, #tpu.memory_space<vmem>>) dst(%dma_wait3A_53 : memref<128x128xf32, #tpu.memory_space<vmem_shared>>)
      tpu.yield
    }) : () -> ()
    %add3A_7 = arith.constant 128 : i32
    %add3A_8 = arith.addi %mul3A_5, %add3A_7 : i32
    "tpu.region"() ({
      %run_scoped3A = tpu.sem_alloc : memref<!tpu.dma_semaphore, #tpu.memory_space<semaphore_mem>>
      %dma_start3A = arith.constant 0 : i32
      %dma_start3A_48 = tpu.memref_slice %arg9[%add3A_8, %dma_start3A] : memref<10240x128xf32, #tpu.memory_space<vmem_shared>> -> memref<128x128xf32, #tpu.memory_space<vmem_shared>>
      %dma_start3A_49 = arith.constant 0 : i32
      %dma_start3A_50 = tpu.memref_slice %arg9[%add3A_8, %dma_start3A_49] : memref<10240x128xf32, #tpu.memory_space<vmem_shared>> -> memref<128x128xf32, #tpu.memory_space<vmem_shared>>
      tpu.enqueue_dma source(%arg8 : memref<128x128xf32, #tpu.memory_space<vmem>>) target(%dma_start3A_50 : memref<128x128xf32, #tpu.memory_space<vmem_shared>>) target_semaphore(%run_scoped3A : memref<!tpu.dma_semaphore, #tpu.memory_space<semaphore_mem>>)
      %dma_wait3A = arith.constant 0 : i32
      %dma_wait3A_51 = tpu.memref_slice %arg9[%add3A_8, %dma_wait3A] : memref<10240x128xf32, #tpu.memory_space<vmem_shared>> -> memref<128x128xf32, #tpu.memory_space<vmem_shared>>
      %dma_wait3A_52 = arith.constant 0 : i32
      %dma_wait3A_53 = tpu.memref_slice %arg9[%add3A_8, %dma_wait3A_52] : memref<10240x128xf32, #tpu.memory_space<vmem_shared>> -> memref<128x128xf32, #tpu.memory_space<vmem_shared>>
      tpu.wait_dma2 semaphore(%run_scoped3A : memref<!tpu.dma_semaphore, #tpu.memory_space<semaphore_mem>>) src(%arg8 : memref<128x128xf32, #tpu.memory_space<vmem>>) dst(%dma_wait3A_53 : memref<128x128xf32, #tpu.memory_space<vmem_shared>>)
      tpu.yield
    }) : () -> ()
    %add3A_9 = arith.constant 256 : i32
    %add3A_10 = arith.addi %mul3A_5, %add3A_9 : i32
    "tpu.region"() ({
      %run_scoped3A = tpu.sem_alloc : memref<!tpu.dma_semaphore, #tpu.memory_space<semaphore_mem>>
      %dma_start3A = arith.constant 0 : i32
      %dma_start3A_48 = tpu.memref_slice %arg9[%add3A_10, %dma_start3A] : memref<10240x128xf32, #tpu.memory_space<vmem_shared>> -> memref<128x128xf32, #tpu.memory_space<vmem_shared>>
      %dma_start3A_49 = arith.constant 0 : i32
      %dma_start3A_50 = tpu.memref_slice %arg9[%add3A_10, %dma_start3A_49] : memref<10240x128xf32, #tpu.memory_space<vmem_shared>> -> memref<128x128xf32, #tpu.memory_space<vmem_shared>>
      tpu.enqueue_dma source(%arg8 : memref<128x128xf32, #tpu.memory_space<vmem>>) target(%dma_start3A_50 : memref<128x128xf32, #tpu.memory_space<vmem_shared>>) target_semaphore(%run_scoped3A : memref<!tpu.dma_semaphore, #tpu.memory_space<semaphore_mem>>)
      %dma_wait3A = arith.constant 0 : i32
      %dma_wait3A_51 = tpu.memref_slice %arg9[%add3A_10, %dma_wait3A] : memref<10240x128xf32, #tpu.memory_space<vmem_shared>> -> memref<128x128xf32, #tpu.memory_space<vmem_shared>>
      %dma_wait3A_52 = arith.constant 0 : i32
      %dma_wait3A_53 = tpu.memref_slice %arg9[%add3A_10, %dma_wait3A_52] : memref<10240x128xf32, #tpu.memory_space<vmem_shared>> -> memref<128x128xf32, #tpu.memory_space<vmem_shared>>
      tpu.wait_dma2 semaphore(%run_scoped3A : memref<!tpu.dma_semaphore, #tpu.memory_space<semaphore_mem>>) src(%arg8 : memref<128x128xf32, #tpu.memory_space<vmem>>) dst(%dma_wait3A_53 : memref<128x128xf32, #tpu.memory_space<vmem_shared>>)
      tpu.yield
    }) : () -> ()
    %add3A_11 = arith.constant 384 : i32
    %add3A_12 = arith.addi %mul3A_5, %add3A_11 : i32
    "tpu.region"() ({
      %run_scoped3A = tpu.sem_alloc : memref<!tpu.dma_semaphore, #tpu.memory_space<semaphore_mem>>
      %dma_start3A = arith.constant 0 : i32
      %dma_start3A_48 = tpu.memref_slice %arg9[%add3A_12, %dma_start3A] : memref<10240x128xf32, #tpu.memory_space<vmem_shared>> -> memref<128x128xf32, #tpu.memory_space<vmem_shared>>
      %dma_start3A_49 = arith.constant 0 : i32
      %dma_start3A_50 = tpu.memref_slice %arg9[%add3A_12, %dma_start3A_49] : memref<10240x128xf32, #tpu.memory_space<vmem_shared>> -> memref<128x128xf32, #tpu.memory_space<vmem_shared>>
      tpu.enqueue_dma source(%arg8 : memref<128x128xf32, #tpu.memory_space<vmem>>) target(%dma_start3A_50 : memref<128x128xf32, #tpu.memory_space<vmem_shared>>) target_semaphore(%run_scoped3A : memref<!tpu.dma_semaphore, #tpu.memory_space<semaphore_mem>>)
      %dma_wait3A = arith.constant 0 : i32
      %dma_wait3A_51 = tpu.memref_slice %arg9[%add3A_12, %dma_wait3A] : memref<10240x128xf32, #tpu.memory_space<vmem_shared>> -> memref<128x128xf32, #tpu.memory_space<vmem_shared>>
      %dma_wait3A_52 = arith.constant 0 : i32
      %dma_wait3A_53 = tpu.memref_slice %arg9[%add3A_12, %dma_wait3A_52] : memref<10240x128xf32, #tpu.memory_space<vmem_shared>> -> memref<128x128xf32, #tpu.memory_space<vmem_shared>>
      tpu.wait_dma2 semaphore(%run_scoped3A : memref<!tpu.dma_semaphore, #tpu.memory_space<semaphore_mem>>) src(%arg8 : memref<128x128xf32, #tpu.memory_space<vmem>>) dst(%dma_wait3A_53 : memref<128x128xf32, #tpu.memory_space<vmem_shared>>)
      tpu.yield
    }) : () -> ()
    %add3A_13 = arith.constant 512 : i32
    %add3A_14 = arith.addi %mul3A_5, %add3A_13 : i32
    "tpu.region"() ({
      %run_scoped3A = tpu.sem_alloc : memref<!tpu.dma_semaphore, #tpu.memory_space<semaphore_mem>>
      %dma_start3A = arith.constant 0 : i32
      %dma_start3A_48 = tpu.memref_slice %arg9[%add3A_14, %dma_start3A] : memref<10240x128xf32, #tpu.memory_space<vmem_shared>> -> memref<128x128xf32, #tpu.memory_space<vmem_shared>>
      %dma_start3A_49 = arith.constant 0 : i32
      %dma_start3A_50 = tpu.memref_slice %arg9[%add3A_14, %dma_start3A_49] : memref<10240x128xf32, #tpu.memory_space<vmem_shared>> -> memref<128x128xf32, #tpu.memory_space<vmem_shared>>
      tpu.enqueue_dma source(%arg8 : memref<128x128xf32, #tpu.memory_space<vmem>>) target(%dma_start3A_50 : memref<128x128xf32, #tpu.memory_space<vmem_shared>>) target_semaphore(%run_scoped3A : memref<!tpu.dma_semaphore, #tpu.memory_space<semaphore_mem>>)
      %dma_wait3A = arith.constant 0 : i32
      %dma_wait3A_51 = tpu.memref_slice %arg9[%add3A_14, %dma_wait3A] : memref<10240x128xf32, #tpu.memory_space<vmem_shared>> -> memref<128x128xf32, #tpu.memory_space<vmem_shared>>
      %dma_wait3A_52 = arith.constant 0 : i32
      %dma_wait3A_53 = tpu.memref_slice %arg9[%add3A_14, %dma_wait3A_52] : memref<10240x128xf32, #tpu.memory_space<vmem_shared>> -> memref<128x128xf32, #tpu.memory_space<vmem_shared>>
      tpu.wait_dma2 semaphore(%run_scoped3A : memref<!tpu.dma_semaphore, #tpu.memory_space<semaphore_mem>>) src(%arg8 : memref<128x128xf32, #tpu.memory_space<vmem>>) dst(%dma_wait3A_53 : memref<128x128xf32, #tpu.memory_space<vmem_shared>>)
      tpu.yield
    }) : () -> ()
    %barrier3A = arith.constant 0 : index
    tpu.barrier barrier_id(%barrier3A)
    %eq3A = arith.constant 0 : i32
    %eq3A_15 = arith.cmpi eq, %arg0, %eq3A : i32
    %jit3A = arith.constant 99 : i32
    %jit3A_16 = arith.constant 58 : i32
    %select_n3A = arith.select %eq3A_15, %jit3A, %jit3A_16 : i32
    %eq3A_17 = arith.constant 0 : i32
    %eq3A_18 = arith.cmpi eq, %arg0, %eq3A_17 : i32
    %mul3A_19 = arith.constant 99 : i32
    %mul3A_20 = arith.muli %arg1, %mul3A_19 : i32
    %mul3A_21 = arith.constant 58 : i32
    %mul3A_22 = arith.muli %arg1, %mul3A_21 : i32
    %add3A_23 = arith.constant 1584 : i32
    %add3A_24 = arith.addi %add3A_23, %mul3A_22 : i32
    %select_n3A_25 = arith.select %eq3A_18, %mul3A_20, %add3A_24 : i32
    %mul3A_26 = arith.constant 128 : i32
    %mul3A_27 = arith.muli %select_n3A_25, %mul3A_26 : i32
    %while3A = arith.constant 0 : i32
    %while3A_28 = arith.constant 0 : i32
    %while3A_29 = arith.subi %select_n3A, %while3A_28 : i32
    %while3A_30 = arith.addi %while3A_28, %while3A_29 : i32
    %while3A_31 = arith.constant 1 : i32
    %while3A_32 = arith.divsi %while3A_29, %while3A_31 : i32
    %while3A_33 = arith.muli %while3A_32, %while3A_31 : i32
    %while3A_34 = arith.addi %while3A_28, %while3A_33 : i32
    %while3A_35 = arith.constant 1 : i32
    scf.for %while3A_48 = %while3A_28 to %while3A_34 step %while3A_35  : i32 {
      %mul3A_49 = arith.constant 128 : i32
      %mul3A_50 = arith.muli %while3A_48, %mul3A_49 : i32
      %add3A_51 = arith.addi %mul3A_27, %mul3A_50 : i32
      "tpu.region"() ({
        %run_scoped3A = tpu.sem_alloc : memref<!tpu.dma_semaphore, #tpu.memory_space<semaphore_mem>>
        %dma_start3A_56 = tpu.memref_slice %arg3[%add3A_51] : memref<321536xi32, #tpu.memory_space<hbm>> -> memref<128xi32, #tpu.memory_space<hbm>>
        %dma_start3A_57 = tpu.memref_slice %arg3[%add3A_51] : memref<321536xi32, #tpu.memory_space<hbm>> -> memref<128xi32, #tpu.memory_space<hbm>>
        tpu.enqueue_dma source(%dma_start3A_57 : memref<128xi32, #tpu.memory_space<hbm>>) target(%arg6 : memref<128xi32, #tpu.memory_space<vmem>>) target_semaphore(%run_scoped3A : memref<!tpu.dma_semaphore, #tpu.memory_space<semaphore_mem>>)
        %dma_wait3A_58 = tpu.memref_slice %arg3[%add3A_51] : memref<321536xi32, #tpu.memory_space<hbm>> -> memref<128xi32, #tpu.memory_space<hbm>>
        %dma_wait3A_59 = tpu.memref_slice %arg3[%add3A_51] : memref<321536xi32, #tpu.memory_space<hbm>> -> memref<128xi32, #tpu.memory_space<hbm>>
        tpu.wait_dma2 semaphore(%run_scoped3A : memref<!tpu.dma_semaphore, #tpu.memory_space<semaphore_mem>>) src(%dma_wait3A_59 : memref<128xi32, #tpu.memory_space<hbm>>) dst(%arg6 : memref<128xi32, #tpu.memory_space<vmem>>)
        tpu.yield
      }) : () -> ()
      "tpu.region"() ({
        %run_scoped3A = tpu.sem_alloc : memref<!tpu.dma_semaphore, #tpu.memory_space<semaphore_mem>>
        %dma_start3A_56 = tpu.memref_slice %arg4[%add3A_51] : memref<321536xi32, #tpu.memory_space<hbm>> -> memref<128xi32, #tpu.memory_space<hbm>>
        %dma_start3A_57 = tpu.memref_slice %arg4[%add3A_51] : memref<321536xi32, #tpu.memory_space<hbm>> -> memref<128xi32, #tpu.memory_space<hbm>>
        tpu.enqueue_dma source(%dma_start3A_57 : memref<128xi32, #tpu.memory_space<hbm>>) target(%arg7 : memref<128xi32, #tpu.memory_space<vmem>>) target_semaphore(%run_scoped3A : memref<!tpu.dma_semaphore, #tpu.memory_space<semaphore_mem>>)
        %dma_wait3A_58 = tpu.memref_slice %arg4[%add3A_51] : memref<321536xi32, #tpu.memory_space<hbm>> -> memref<128xi32, #tpu.memory_space<hbm>>
        %dma_wait3A_59 = tpu.memref_slice %arg4[%add3A_51] : memref<321536xi32, #tpu.memory_space<hbm>> -> memref<128xi32, #tpu.memory_space<hbm>>
        tpu.wait_dma2 semaphore(%run_scoped3A : memref<!tpu.dma_semaphore, #tpu.memory_space<semaphore_mem>>) src(%dma_wait3A_59 : memref<128xi32, #tpu.memory_space<hbm>>) dst(%arg7 : memref<128xi32, #tpu.memory_space<vmem>>)
        tpu.yield
      }) : () -> ()
      %dma_start3A = arith.constant 0 : i32
      %dma_start3A_52 = arith.constant 0 : i32
      %dma_start3A_53 = tpu.memref_slice %arg2[%dma_start3A, %dma_start3A_52] : memref<10000x128xf32, #tpu.memory_space<hbm>> -> memref<10000x128xf32, #tpu.memory_space<hbm>>
      tpu.enqueue_indirect_dma source(%dma_start3A_53 : memref<10000x128xf32, #tpu.memory_space<hbm>>) target(%arg8 : memref<128x128xf32, #tpu.memory_space<vmem>>) offsets(%arg6 : memref<128xi32, #tpu.memory_space<vmem>>) semaphore(%arg10 : memref<!tpu.dma_semaphore, #tpu.memory_space<semaphore_mem>>)
      %dma_wait3A = arith.constant 0 : i32
      %dma_wait3A_54 = arith.constant 0 : i32
      %dma_wait3A_55 = tpu.memref_slice %arg2[%dma_wait3A, %dma_wait3A_54] : memref<10000x128xf32, #tpu.memory_space<hbm>> -> memref<10000x128xf32, #tpu.memory_space<hbm>>
      tpu.wait_indirect_dma semaphore(%arg10 : memref<!tpu.dma_semaphore, #tpu.memory_space<semaphore_mem>>) src(%dma_wait3A_55 : memref<10000x128xf32, #tpu.memory_space<hbm>>) dst(%arg8 : memref<128x128xf32, #tpu.memory_space<vmem>>)
      "tpu.region"() ({
        %run_scoped3A = tpu.sem_alloc : memref<!tpu.dma_semaphore, #tpu.memory_space<semaphore_mem>>
        %dma_start3A_56 = arith.constant 0 : i32
        %dma_start3A_57 = arith.constant 0 : i32
        %dma_start3A_58 = tpu.memref_slice %arg9[%dma_start3A_56, %dma_start3A_57] : memref<10240x128xf32, #tpu.memory_space<vmem_shared>> -> memref<10240x128xf32, #tpu.memory_space<vmem_shared>>
        tpu.enqueue_indirect_dma source(%arg8 : memref<128x128xf32, #tpu.memory_space<vmem>>) target(%dma_start3A_58 : memref<10240x128xf32, #tpu.memory_space<vmem_shared>>) offsets(%arg7 : memref<128xi32, #tpu.memory_space<vmem>>) semaphore(%run_scoped3A : memref<!tpu.dma_semaphore, #tpu.memory_space<semaphore_mem>>) {add = true}
        %dma_wait3A_59 = arith.constant 0 : i32
        %dma_wait3A_60 = arith.constant 0 : i32
        %dma_wait3A_61 = tpu.memref_slice %arg9[%dma_wait3A_59, %dma_wait3A_60] : memref<10240x128xf32, #tpu.memory_space<vmem_shared>> -> memref<10240x128xf32, #tpu.memory_space<vmem_shared>>
        tpu.wait_indirect_dma semaphore(%run_scoped3A : memref<!tpu.dma_semaphore, #tpu.memory_space<semaphore_mem>>) src(%arg8 : memref<128x128xf32, #tpu.memory_space<vmem>>) dst(%dma_wait3A_61 : memref<10240x128xf32, #tpu.memory_space<vmem_shared>>)
        tpu.yield
      }) : () -> ()
    }
    %while3A_36 = arith.constant 1 : i32
    scf.for %while3A_48 = %while3A_34 to %while3A_30 step %while3A_36  : i32 {
      %mul3A_49 = arith.constant 128 : i32
      %mul3A_50 = arith.muli %while3A_48, %mul3A_49 : i32
      %add3A_51 = arith.addi %mul3A_27, %mul3A_50 : i32
      "tpu.region"() ({
        %run_scoped3A = tpu.sem_alloc : memref<!tpu.dma_semaphore, #tpu.memory_space<semaphore_mem>>
        %dma_start3A_56 = tpu.memref_slice %arg3[%add3A_51] : memref<321536xi32, #tpu.memory_space<hbm>> -> memref<128xi32, #tpu.memory_space<hbm>>
        %dma_start3A_57 = tpu.memref_slice %arg3[%add3A_51] : memref<321536xi32, #tpu.memory_space<hbm>> -> memref<128xi32, #tpu.memory_space<hbm>>
        tpu.enqueue_dma source(%dma_start3A_57 : memref<128xi32, #tpu.memory_space<hbm>>) target(%arg6 : memref<128xi32, #tpu.memory_space<vmem>>) target_semaphore(%run_scoped3A : memref<!tpu.dma_semaphore, #tpu.memory_space<semaphore_mem>>)
        %dma_wait3A_58 = tpu.memref_slice %arg3[%add3A_51] : memref<321536xi32, #tpu.memory_space<hbm>> -> memref<128xi32, #tpu.memory_space<hbm>>
        %dma_wait3A_59 = tpu.memref_slice %arg3[%add3A_51] : memref<321536xi32, #tpu.memory_space<hbm>> -> memref<128xi32, #tpu.memory_space<hbm>>
        tpu.wait_dma2 semaphore(%run_scoped3A : memref<!tpu.dma_semaphore, #tpu.memory_space<semaphore_mem>>) src(%dma_wait3A_59 : memref<128xi32, #tpu.memory_space<hbm>>) dst(%arg6 : memref<128xi32, #tpu.memory_space<vmem>>)
        tpu.yield
      }) : () -> ()
      "tpu.region"() ({
        %run_scoped3A = tpu.sem_alloc : memref<!tpu.dma_semaphore, #tpu.memory_space<semaphore_mem>>
        %dma_start3A_56 = tpu.memref_slice %arg4[%add3A_51] : memref<321536xi32, #tpu.memory_space<hbm>> -> memref<128xi32, #tpu.memory_space<hbm>>
        %dma_start3A_57 = tpu.memref_slice %arg4[%add3A_51] : memref<321536xi32, #tpu.memory_space<hbm>> -> memref<128xi32, #tpu.memory_space<hbm>>
        tpu.enqueue_dma source(%dma_start3A_57 : memref<128xi32, #tpu.memory_space<hbm>>) target(%arg7 : memref<128xi32, #tpu.memory_space<vmem>>) target_semaphore(%run_scoped3A : memref<!tpu.dma_semaphore, #tpu.memory_space<semaphore_mem>>)
        %dma_wait3A_58 = tpu.memref_slice %arg4[%add3A_51] : memref<321536xi32, #tpu.memory_space<hbm>> -> memref<128xi32, #tpu.memory_space<hbm>>
        %dma_wait3A_59 = tpu.memref_slice %arg4[%add3A_51] : memref<321536xi32, #tpu.memory_space<hbm>> -> memref<128xi32, #tpu.memory_space<hbm>>
        tpu.wait_dma2 semaphore(%run_scoped3A : memref<!tpu.dma_semaphore, #tpu.memory_space<semaphore_mem>>) src(%dma_wait3A_59 : memref<128xi32, #tpu.memory_space<hbm>>) dst(%arg7 : memref<128xi32, #tpu.memory_space<vmem>>)
        tpu.yield
      }) : () -> ()
      %dma_start3A = arith.constant 0 : i32
      %dma_start3A_52 = arith.constant 0 : i32
      %dma_start3A_53 = tpu.memref_slice %arg2[%dma_start3A, %dma_start3A_52] : memref<10000x128xf32, #tpu.memory_space<hbm>> -> memref<10000x128xf32, #tpu.memory_space<hbm>>
      tpu.enqueue_indirect_dma source(%dma_start3A_53 : memref<10000x128xf32, #tpu.memory_space<hbm>>) target(%arg8 : memref<128x128xf32, #tpu.memory_space<vmem>>) offsets(%arg6 : memref<128xi32, #tpu.memory_space<vmem>>) semaphore(%arg10 : memref<!tpu.dma_semaphore, #tpu.memory_space<semaphore_mem>>)
      %dma_wait3A = arith.constant 0 : i32
      %dma_wait3A_54 = arith.constant 0 : i32
      %dma_wait3A_55 = tpu.memref_slice %arg2[%dma_wait3A, %dma_wait3A_54] : memref<10000x128xf32, #tpu.memory_space<hbm>> -> memref<10000x128xf32, #tpu.memory_space<hbm>>
      tpu.wait_indirect_dma semaphore(%arg10 : memref<!tpu.dma_semaphore, #tpu.memory_space<semaphore_mem>>) src(%dma_wait3A_55 : memref<10000x128xf32, #tpu.memory_space<hbm>>) dst(%arg8 : memref<128x128xf32, #tpu.memory_space<vmem>>)
      "tpu.region"() ({
        %run_scoped3A = tpu.sem_alloc : memref<!tpu.dma_semaphore, #tpu.memory_space<semaphore_mem>>
        %dma_start3A_56 = arith.constant 0 : i32
        %dma_start3A_57 = arith.constant 0 : i32
        %dma_start3A_58 = tpu.memref_slice %arg9[%dma_start3A_56, %dma_start3A_57] : memref<10240x128xf32, #tpu.memory_space<vmem_shared>> -> memref<10240x128xf32, #tpu.memory_space<vmem_shared>>
        tpu.enqueue_indirect_dma source(%arg8 : memref<128x128xf32, #tpu.memory_space<vmem>>) target(%dma_start3A_58 : memref<10240x128xf32, #tpu.memory_space<vmem_shared>>) offsets(%arg7 : memref<128xi32, #tpu.memory_space<vmem>>) semaphore(%run_scoped3A : memref<!tpu.dma_semaphore, #tpu.memory_space<semaphore_mem>>) {add = true}
        %dma_wait3A_59 = arith.constant 0 : i32
        %dma_wait3A_60 = arith.constant 0 : i32
        %dma_wait3A_61 = tpu.memref_slice %arg9[%dma_wait3A_59, %dma_wait3A_60] : memref<10240x128xf32, #tpu.memory_space<vmem_shared>> -> memref<10240x128xf32, #tpu.memory_space<vmem_shared>>
        tpu.wait_indirect_dma semaphore(%run_scoped3A : memref<!tpu.dma_semaphore, #tpu.memory_space<semaphore_mem>>) src(%arg8 : memref<128x128xf32, #tpu.memory_space<vmem>>) dst(%dma_wait3A_61 : memref<10240x128xf32, #tpu.memory_space<vmem_shared>>)
        tpu.yield
      }) : () -> ()
    }
    %barrier3A_37 = arith.constant 0 : index
    tpu.barrier barrier_id(%barrier3A_37)
    %add3A_38 = arith.constant 0 : i32
    %add3A_39 = arith.addi %mul3A_5, %add3A_38 : i32
    "tpu.region"() ({
      %run_scoped3A = tpu.sem_alloc : memref<!tpu.dma_semaphore, #tpu.memory_space<semaphore_mem>>
      %dma_start3A = arith.constant 0 : i32
      %dma_start3A_48 = tpu.memref_slice %arg5[%arg0, %add3A_39, %dma_start3A] : memref<2x10240x128xf32, #tpu.memory_space<hbm>> -> memref<1x128x128xf32, #tpu.memory_space<hbm>>
      %dma_start3A_49 = tpu.memref_squeeze %dma_start3A_48 : memref<1x128x128xf32, #tpu.memory_space<hbm>> -> memref<128x128xf32, #tpu.memory_space<hbm>>
      %dma_start3A_50 = arith.constant 0 : i32
      %dma_start3A_51 = tpu.memref_slice %arg9[%add3A_39, %dma_start3A_50] : memref<10240x128xf32, #tpu.memory_space<vmem_shared>> -> memref<128x128xf32, #tpu.memory_space<vmem_shared>>
      tpu.enqueue_dma source(%dma_start3A_51 : memref<128x128xf32, #tpu.memory_space<vmem_shared>>) target(%dma_start3A_49 : memref<128x128xf32, #tpu.memory_space<hbm>>) target_semaphore(%run_scoped3A : memref<!tpu.dma_semaphore, #tpu.memory_space<semaphore_mem>>)
      %dma_wait3A = arith.constant 0 : i32
      %dma_wait3A_52 = tpu.memref_slice %arg5[%arg0, %add3A_39, %dma_wait3A] : memref<2x10240x128xf32, #tpu.memory_space<hbm>> -> memref<1x128x128xf32, #tpu.memory_space<hbm>>
      %dma_wait3A_53 = tpu.memref_squeeze %dma_wait3A_52 : memref<1x128x128xf32, #tpu.memory_space<hbm>> -> memref<128x128xf32, #tpu.memory_space<hbm>>
      %dma_wait3A_54 = arith.constant 0 : i32
      %dma_wait3A_55 = tpu.memref_slice %arg9[%add3A_39, %dma_wait3A_54] : memref<10240x128xf32, #tpu.memory_space<vmem_shared>> -> memref<128x128xf32, #tpu.memory_space<vmem_shared>>
      tpu.wait_dma2 semaphore(%run_scoped3A : memref<!tpu.dma_semaphore, #tpu.memory_space<semaphore_mem>>) src(%dma_wait3A_55 : memref<128x128xf32, #tpu.memory_space<vmem_shared>>) dst(%dma_wait3A_53 : memref<128x128xf32, #tpu.memory_space<hbm>>)
      tpu.yield
    }) : () -> ()
    %add3A_40 = arith.constant 128 : i32
    %add3A_41 = arith.addi %mul3A_5, %add3A_40 : i32
    "tpu.region"() ({
      %run_scoped3A = tpu.sem_alloc : memref<!tpu.dma_semaphore, #tpu.memory_space<semaphore_mem>>
      %dma_start3A = arith.constant 0 : i32
      %dma_start3A_48 = tpu.memref_slice %arg5[%arg0, %add3A_41, %dma_start3A] : memref<2x10240x128xf32, #tpu.memory_space<hbm>> -> memref<1x128x128xf32, #tpu.memory_space<hbm>>
      %dma_start3A_49 = tpu.memref_squeeze %dma_start3A_48 : memref<1x128x128xf32, #tpu.memory_space<hbm>> -> memref<128x128xf32, #tpu.memory_space<hbm>>
      %dma_start3A_50 = arith.constant 0 : i32
      %dma_start3A_51 = tpu.memref_slice %arg9[%add3A_41, %dma_start3A_50] : memref<10240x128xf32, #tpu.memory_space<vmem_shared>> -> memref<128x128xf32, #tpu.memory_space<vmem_shared>>
      tpu.enqueue_dma source(%dma_start3A_51 : memref<128x128xf32, #tpu.memory_space<vmem_shared>>) target(%dma_start3A_49 : memref<128x128xf32, #tpu.memory_space<hbm>>) target_semaphore(%run_scoped3A : memref<!tpu.dma_semaphore, #tpu.memory_space<semaphore_mem>>)
      %dma_wait3A = arith.constant 0 : i32
      %dma_wait3A_52 = tpu.memref_slice %arg5[%arg0, %add3A_41, %dma_wait3A] : memref<2x10240x128xf32, #tpu.memory_space<hbm>> -> memref<1x128x128xf32, #tpu.memory_space<hbm>>
      %dma_wait3A_53 = tpu.memref_squeeze %dma_wait3A_52 : memref<1x128x128xf32, #tpu.memory_space<hbm>> -> memref<128x128xf32, #tpu.memory_space<hbm>>
      %dma_wait3A_54 = arith.constant 0 : i32
      %dma_wait3A_55 = tpu.memref_slice %arg9[%add3A_41, %dma_wait3A_54] : memref<10240x128xf32, #tpu.memory_space<vmem_shared>> -> memref<128x128xf32, #tpu.memory_space<vmem_shared>>
      tpu.wait_dma2 semaphore(%run_scoped3A : memref<!tpu.dma_semaphore, #tpu.memory_space<semaphore_mem>>) src(%dma_wait3A_55 : memref<128x128xf32, #tpu.memory_space<vmem_shared>>) dst(%dma_wait3A_53 : memref<128x128xf32, #tpu.memory_space<hbm>>)
      tpu.yield
    }) : () -> ()
    %add3A_42 = arith.constant 256 : i32
    %add3A_43 = arith.addi %mul3A_5, %add3A_42 : i32
    "tpu.region"() ({
      %run_scoped3A = tpu.sem_alloc : memref<!tpu.dma_semaphore, #tpu.memory_space<semaphore_mem>>
      %dma_start3A = arith.constant 0 : i32
      %dma_start3A_48 = tpu.memref_slice %arg5[%arg0, %add3A_43, %dma_start3A] : memref<2x10240x128xf32, #tpu.memory_space<hbm>> -> memref<1x128x128xf32, #tpu.memory_space<hbm>>
      %dma_start3A_49 = tpu.memref_squeeze %dma_start3A_48 : memref<1x128x128xf32, #tpu.memory_space<hbm>> -> memref<128x128xf32, #tpu.memory_space<hbm>>
      %dma_start3A_50 = arith.constant 0 : i32
      %dma_start3A_51 = tpu.memref_slice %arg9[%add3A_43, %dma_start3A_50] : memref<10240x128xf32, #tpu.memory_space<vmem_shared>> -> memref<128x128xf32, #tpu.memory_space<vmem_shared>>
      tpu.enqueue_dma source(%dma_start3A_51 : memref<128x128xf32, #tpu.memory_space<vmem_shared>>) target(%dma_start3A_49 : memref<128x128xf32, #tpu.memory_space<hbm>>) target_semaphore(%run_scoped3A : memref<!tpu.dma_semaphore, #tpu.memory_space<semaphore_mem>>)
      %dma_wait3A = arith.constant 0 : i32
      %dma_wait3A_52 = tpu.memref_slice %arg5[%arg0, %add3A_43, %dma_wait3A] : memref<2x10240x128xf32, #tpu.memory_space<hbm>> -> memref<1x128x128xf32, #tpu.memory_space<hbm>>
      %dma_wait3A_53 = tpu.memref_squeeze %dma_wait3A_52 : memref<1x128x128xf32, #tpu.memory_space<hbm>> -> memref<128x128xf32, #tpu.memory_space<hbm>>
      %dma_wait3A_54 = arith.constant 0 : i32
      %dma_wait3A_55 = tpu.memref_slice %arg9[%add3A_43, %dma_wait3A_54] : memref<10240x128xf32, #tpu.memory_space<vmem_shared>> -> memref<128x128xf32, #tpu.memory_space<vmem_shared>>
      tpu.wait_dma2 semaphore(%run_scoped3A : memref<!tpu.dma_semaphore, #tpu.memory_space<semaphore_mem>>) src(%dma_wait3A_55 : memref<128x128xf32, #tpu.memory_space<vmem_shared>>) dst(%dma_wait3A_53 : memref<128x128xf32, #tpu.memory_space<hbm>>)
      tpu.yield
    }) : () -> ()
    %add3A_44 = arith.constant 384 : i32
    %add3A_45 = arith.addi %mul3A_5, %add3A_44 : i32
    "tpu.region"() ({
      %run_scoped3A = tpu.sem_alloc : memref<!tpu.dma_semaphore, #tpu.memory_space<semaphore_mem>>
      %dma_start3A = arith.constant 0 : i32
      %dma_start3A_48 = tpu.memref_slice %arg5[%arg0, %add3A_45, %dma_start3A] : memref<2x10240x128xf32, #tpu.memory_space<hbm>> -> memref<1x128x128xf32, #tpu.memory_space<hbm>>
      %dma_start3A_49 = tpu.memref_squeeze %dma_start3A_48 : memref<1x128x128xf32, #tpu.memory_space<hbm>> -> memref<128x128xf32, #tpu.memory_space<hbm>>
      %dma_start3A_50 = arith.constant 0 : i32
      %dma_start3A_51 = tpu.memref_slice %arg9[%add3A_45, %dma_start3A_50] : memref<10240x128xf32, #tpu.memory_space<vmem_shared>> -> memref<128x128xf32, #tpu.memory_space<vmem_shared>>
      tpu.enqueue_dma source(%dma_start3A_51 : memref<128x128xf32, #tpu.memory_space<vmem_shared>>) target(%dma_start3A_49 : memref<128x128xf32, #tpu.memory_space<hbm>>) target_semaphore(%run_scoped3A : memref<!tpu.dma_semaphore, #tpu.memory_space<semaphore_mem>>)
      %dma_wait3A = arith.constant 0 : i32
      %dma_wait3A_52 = tpu.memref_slice %arg5[%arg0, %add3A_45, %dma_wait3A] : memref<2x10240x128xf32, #tpu.memory_space<hbm>> -> memref<1x128x128xf32, #tpu.memory_space<hbm>>
      %dma_wait3A_53 = tpu.memref_squeeze %dma_wait3A_52 : memref<1x128x128xf32, #tpu.memory_space<hbm>> -> memref<128x128xf32, #tpu.memory_space<hbm>>
      %dma_wait3A_54 = arith.constant 0 : i32
      %dma_wait3A_55 = tpu.memref_slice %arg9[%add3A_45, %dma_wait3A_54] : memref<10240x128xf32, #tpu.memory_space<vmem_shared>> -> memref<128x128xf32, #tpu.memory_space<vmem_shared>>
      tpu.wait_dma2 semaphore(%run_scoped3A : memref<!tpu.dma_semaphore, #tpu.memory_space<semaphore_mem>>) src(%dma_wait3A_55 : memref<128x128xf32, #tpu.memory_space<vmem_shared>>) dst(%dma_wait3A_53 : memref<128x128xf32, #tpu.memory_space<hbm>>)
      tpu.yield
    }) : () -> ()
    %add3A_46 = arith.constant 512 : i32
    %add3A_47 = arith.addi %mul3A_5, %add3A_46 : i32
    "tpu.region"() ({
      %run_scoped3A = tpu.sem_alloc : memref<!tpu.dma_semaphore, #tpu.memory_space<semaphore_mem>>
      %dma_start3A = arith.constant 0 : i32
      %dma_start3A_48 = tpu.memref_slice %arg5[%arg0, %add3A_47, %dma_start3A] : memref<2x10240x128xf32, #tpu.memory_space<hbm>> -> memref<1x128x128xf32, #tpu.memory_space<hbm>>
      %dma_start3A_49 = tpu.memref_squeeze %dma_start3A_48 : memref<1x128x128xf32, #tpu.memory_space<hbm>> -> memref<128x128xf32, #tpu.memory_space<hbm>>
      %dma_start3A_50 = arith.constant 0 : i32
      %dma_start3A_51 = tpu.memref_slice %arg9[%add3A_47, %dma_start3A_50] : memref<10240x128xf32, #tpu.memory_space<vmem_shared>> -> memref<128x128xf32, #tpu.memory_space<vmem_shared>>
      tpu.enqueue_dma source(%dma_start3A_51 : memref<128x128xf32, #tpu.memory_space<vmem_shared>>) target(%dma_start3A_49 : memref<128x128xf32, #tpu.memory_space<hbm>>) target_semaphore(%run_scoped3A : memref<!tpu.dma_semaphore, #tpu.memory_space<semaphore_mem>>)
      %dma_wait3A = arith.constant 0 : i32
      %dma_wait3A_52 = tpu.memref_slice %arg5[%arg0, %add3A_47, %dma_wait3A] : memref<2x10240x128xf32, #tpu.memory_space<hbm>> -> memref<1x128x128xf32, #tpu.memory_space<hbm>>
      %dma_wait3A_53 = tpu.memref_squeeze %dma_wait3A_52 : memref<1x128x128xf32, #tpu.memory_space<hbm>> -> memref<128x128xf32, #tpu.memory_space<hbm>>
      %dma_wait3A_54 = arith.constant 0 : i32
      %dma_wait3A_55 = tpu.memref_slice %arg9[%add3A_47, %dma_wait3A_54] : memref<10240x128xf32, #tpu.memory_space<vmem_shared>> -> memref<128x128xf32, #tpu.memory_space<vmem_shared>>
      tpu.wait_dma2 semaphore(%run_scoped3A : memref<!tpu.dma_semaphore, #tpu.memory_space<semaphore_mem>>) src(%dma_wait3A_55 : memref<128x128xf32, #tpu.memory_space<vmem_shared>>) dst(%dma_wait3A_53 : memref<128x128xf32, #tpu.memory_space<hbm>>)
      tpu.yield
    }) : () -> ()
    return
  }
}

#map = affine_map<(d0, d1) -> (0, 0, 0)>
#map1 = affine_map<(d0, d1) -> (0, 0)>
module attributes {stable_mosaic.version = 14 : i64} {
  func.func @seg_scalar(%arg0: i32, %arg1: i32, %arg2: memref<32x79x128xf32, #tpu.memory_space<hbm>>, %arg3: memref<32x79x128xi32, #tpu.memory_space<hbm>>, %arg4: memref<2x10240xf32, #tpu.memory_space<hbm>>, %arg5: memref<79x128xi32, #tpu.memory_space<vmem>>, %arg6: memref<79x128xf32, #tpu.memory_space<vmem>>, %arg7: memref<640xf32, #tpu.memory_space<vmem>>, %arg8: memref<10240xf32, #tpu.memory_space<vmem_shared>>) attributes {dimension_semantics = [#tpu.dimension_semantics<core_parallel>, #tpu.dimension_semantics<subcore_parallel>], iteration_bounds = array<i64: 2, 16>, scalar_prefetch = 0 : i64, scratch_operands = 4 : i64, tpu.core_type = #tpu.core_type<sc_vector_subcore>, window_params = [{transform_indices = #map}, {transform_indices = #map}, {transform_indices = #map1}]} {
    %mul3A = arith.constant 2 : i32
    %mul3A_0 = arith.muli %arg1, %mul3A : i32
    %add3A = arith.addi %mul3A_0, %arg0 : i32
    %scan3A = arith.constant 0 : i32
    %scan3A_1 = arith.constant 0 : i32
    %scan3A_2 = arith.constant 40 : i32
    %scan3A_3 = arith.addi %scan3A_1, %scan3A_2 : i32
    %scan3A_4 = arith.constant 1 : i32
    scf.for %scan3A_15 = %scan3A_1 to %scan3A_3 step %scan3A_4  : i32 {
      %broadcast_in_dim3A = arith.constant 0.000000e+00 : f32
      %broadcast_in_dim3A_16 = vector.broadcast %broadcast_in_dim3A : f32 to vector<16xf32>
      %mul3A_17 = arith.constant 16 : i32
      %mul3A_18 = arith.muli %scan3A_15, %mul3A_17 : i32
      %swap3A = arith.index_cast %mul3A_18 : i32 to index
      %swap3A_19 = tpu.vector_load %arg7[%swap3A] {strides = array<i32>} : memref<640xf32, #tpu.memory_space<vmem>>, vector<16xf32>,
      %swap3A_20 = vector.shape_cast %swap3A_19 : vector<16xf32> to vector<16xf32>
      %swap3A_21 = vector.shape_cast %broadcast_in_dim3A_16 : vector<16xf32> to vector<16xf32>
      tpu.vector_store %arg7[%swap3A], %swap3A_21 {strides = array<i32>} : memref<640xf32, #tpu.memory_space<vmem>>, vector<16xf32>,
    }
    %scan3A_5 = arith.constant 40 : i32
    %mul3A_6 = arith.constant 640 : i32
    %mul3A_7 = arith.muli %arg1, %mul3A_6 : i32
    "tpu.region"() ({
      %run_scoped3A = tpu.sem_alloc : memref<!tpu.dma_semaphore, #tpu.memory_space<semaphore_mem>>
      %dma_start3A = tpu.memref_slice %arg8[%mul3A_7] : memref<10240xf32, #tpu.memory_space<vmem_shared>> -> memref<640xf32, #tpu.memory_space<vmem_shared>>
      %dma_start3A_15 = tpu.memref_slice %arg8[%mul3A_7] : memref<10240xf32, #tpu.memory_space<vmem_shared>> -> memref<640xf32, #tpu.memory_space<vmem_shared>>
      tpu.enqueue_dma source(%arg7 : memref<640xf32, #tpu.memory_space<vmem>>) target(%dma_start3A_15 : memref<640xf32, #tpu.memory_space<vmem_shared>>) target_semaphore(%run_scoped3A : memref<!tpu.dma_semaphore, #tpu.memory_space<semaphore_mem>>)
      %dma_wait3A = tpu.memref_slice %arg8[%mul3A_7] : memref<10240xf32, #tpu.memory_space<vmem_shared>> -> memref<640xf32, #tpu.memory_space<vmem_shared>>
      %dma_wait3A_16 = tpu.memref_slice %arg8[%mul3A_7] : memref<10240xf32, #tpu.memory_space<vmem_shared>> -> memref<640xf32, #tpu.memory_space<vmem_shared>>
      tpu.wait_dma2 semaphore(%run_scoped3A : memref<!tpu.dma_semaphore, #tpu.memory_space<semaphore_mem>>) src(%arg7 : memref<640xf32, #tpu.memory_space<vmem>>) dst(%dma_wait3A_16 : memref<640xf32, #tpu.memory_space<vmem_shared>>)
      tpu.yield
    }) : () -> ()
    %barrier3A = arith.constant 0 : index
    tpu.barrier barrier_id(%barrier3A)
    "tpu.region"() ({
      %run_scoped3A = tpu.sem_alloc : memref<!tpu.dma_semaphore, #tpu.memory_space<semaphore_mem>>
      %dma_start3A = arith.constant 0 : i32
      %dma_start3A_15 = arith.constant 0 : i32
      %dma_start3A_16 = tpu.memref_slice %arg3[%add3A, %dma_start3A, %dma_start3A_15] : memref<32x79x128xi32, #tpu.memory_space<hbm>> -> memref<1x79x128xi32, #tpu.memory_space<hbm>>
      %dma_start3A_17 = tpu.memref_squeeze %dma_start3A_16 : memref<1x79x128xi32, #tpu.memory_space<hbm>> -> memref<79x128xi32, #tpu.memory_space<hbm>>
      %dma_start3A_18 = arith.constant 0 : i32
      %dma_start3A_19 = arith.constant 0 : i32
      %dma_start3A_20 = tpu.memref_slice %arg3[%add3A, %dma_start3A_18, %dma_start3A_19] : memref<32x79x128xi32, #tpu.memory_space<hbm>> -> memref<1x79x128xi32, #tpu.memory_space<hbm>>
      %dma_start3A_21 = tpu.memref_squeeze %dma_start3A_20 : memref<1x79x128xi32, #tpu.memory_space<hbm>> -> memref<79x128xi32, #tpu.memory_space<hbm>>
      tpu.enqueue_dma source(%dma_start3A_21 : memref<79x128xi32, #tpu.memory_space<hbm>>) target(%arg5 : memref<79x128xi32, #tpu.memory_space<vmem>>) target_semaphore(%run_scoped3A : memref<!tpu.dma_semaphore, #tpu.memory_space<semaphore_mem>>)
      %dma_wait3A = arith.constant 0 : i32
      %dma_wait3A_22 = arith.constant 0 : i32
      %dma_wait3A_23 = tpu.memref_slice %arg3[%add3A, %dma_wait3A, %dma_wait3A_22] : memref<32x79x128xi32, #tpu.memory_space<hbm>> -> memref<1x79x128xi32, #tpu.memory_space<hbm>>
      %dma_wait3A_24 = tpu.memref_squeeze %dma_wait3A_23 : memref<1x79x128xi32, #tpu.memory_space<hbm>> -> memref<79x128xi32, #tpu.memory_space<hbm>>
      %dma_wait3A_25 = arith.constant 0 : i32
      %dma_wait3A_26 = arith.constant 0 : i32
      %dma_wait3A_27 = tpu.memref_slice %arg3[%add3A, %dma_wait3A_25, %dma_wait3A_26] : memref<32x79x128xi32, #tpu.memory_space<hbm>> -> memref<1x79x128xi32, #tpu.memory_space<hbm>>
      %dma_wait3A_28 = tpu.memref_squeeze %dma_wait3A_27 : memref<1x79x128xi32, #tpu.memory_space<hbm>> -> memref<79x128xi32, #tpu.memory_space<hbm>>
      tpu.wait_dma2 semaphore(%run_scoped3A : memref<!tpu.dma_semaphore, #tpu.memory_space<semaphore_mem>>) src(%dma_wait3A_28 : memref<79x128xi32, #tpu.memory_space<hbm>>) dst(%arg5 : memref<79x128xi32, #tpu.memory_space<vmem>>)
      tpu.yield
    }) : () -> ()
    "tpu.region"() ({
      %run_scoped3A = tpu.sem_alloc : memref<!tpu.dma_semaphore, #tpu.memory_space<semaphore_mem>>
      %dma_start3A = arith.constant 0 : i32
      %dma_start3A_15 = arith.constant 0 : i32
      %dma_start3A_16 = tpu.memref_slice %arg2[%add3A, %dma_start3A, %dma_start3A_15] : memref<32x79x128xf32, #tpu.memory_space<hbm>> -> memref<1x79x128xf32, #tpu.memory_space<hbm>>
      %dma_start3A_17 = tpu.memref_squeeze %dma_start3A_16 : memref<1x79x128xf32, #tpu.memory_space<hbm>> -> memref<79x128xf32, #tpu.memory_space<hbm>>
      %dma_start3A_18 = arith.constant 0 : i32
      %dma_start3A_19 = arith.constant 0 : i32
      %dma_start3A_20 = tpu.memref_slice %arg2[%add3A, %dma_start3A_18, %dma_start3A_19] : memref<32x79x128xf32, #tpu.memory_space<hbm>> -> memref<1x79x128xf32, #tpu.memory_space<hbm>>
      %dma_start3A_21 = tpu.memref_squeeze %dma_start3A_20 : memref<1x79x128xf32, #tpu.memory_space<hbm>> -> memref<79x128xf32, #tpu.memory_space<hbm>>
      tpu.enqueue_dma source(%dma_start3A_21 : memref<79x128xf32, #tpu.memory_space<hbm>>) target(%arg6 : memref<79x128xf32, #tpu.memory_space<vmem>>) target_semaphore(%run_scoped3A : memref<!tpu.dma_semaphore, #tpu.memory_space<semaphore_mem>>)
      %dma_wait3A = arith.constant 0 : i32
      %dma_wait3A_22 = arith.constant 0 : i32
      %dma_wait3A_23 = tpu.memref_slice %arg2[%add3A, %dma_wait3A, %dma_wait3A_22] : memref<32x79x128xf32, #tpu.memory_space<hbm>> -> memref<1x79x128xf32, #tpu.memory_space<hbm>>
      %dma_wait3A_24 = tpu.memref_squeeze %dma_wait3A_23 : memref<1x79x128xf32, #tpu.memory_space<hbm>> -> memref<79x128xf32, #tpu.memory_space<hbm>>
      %dma_wait3A_25 = arith.constant 0 : i32
      %dma_wait3A_26 = arith.constant 0 : i32
      %dma_wait3A_27 = tpu.memref_slice %arg2[%add3A, %dma_wait3A_25, %dma_wait3A_26] : memref<32x79x128xf32, #tpu.memory_space<hbm>> -> memref<1x79x128xf32, #tpu.memory_space<hbm>>
      %dma_wait3A_28 = tpu.memref_squeeze %dma_wait3A_27 : memref<1x79x128xf32, #tpu.memory_space<hbm>> -> memref<79x128xf32, #tpu.memory_space<hbm>>
      tpu.wait_dma2 semaphore(%run_scoped3A : memref<!tpu.dma_semaphore, #tpu.memory_space<semaphore_mem>>) src(%dma_wait3A_28 : memref<79x128xf32, #tpu.memory_space<hbm>>) dst(%arg6 : memref<79x128xf32, #tpu.memory_space<vmem>>)
      tpu.yield
    }) : () -> ()
    %scan3A_8 = arith.constant 0 : i32
    %scan3A_9 = arith.constant 0 : i32
    %scan3A_10 = arith.constant 79 : i32
    %scan3A_11 = arith.addi %scan3A_9, %scan3A_10 : i32
    %scan3A_12 = arith.constant 1 : i32
    scf.for %scan3A_15 = %scan3A_9 to %scan3A_11 step %scan3A_12  : i32 {
      "tpu.region"() ({
        %run_scoped3A = tpu.sem_alloc : memref<!tpu.dma_semaphore, #tpu.memory_space<semaphore_mem>>
        %dma_start3A = arith.constant 0 : i32
        %dma_start3A_16 = tpu.memref_slice %arg6[%scan3A_15, %dma_start3A] : memref<79x128xf32, #tpu.memory_space<vmem>> -> memref<1x128xf32, #tpu.memory_space<vmem>>
        %dma_start3A_17 = tpu.memref_squeeze %dma_start3A_16 : memref<1x128xf32, #tpu.memory_space<vmem>> -> memref<128xf32, #tpu.memory_space<vmem>>
        %dma_start3A_18 = arith.constant 0 : i32
        %dma_start3A_19 = tpu.memref_slice %arg5[%scan3A_15, %dma_start3A_18] : memref<79x128xi32, #tpu.memory_space<vmem>> -> memref<1x128xi32, #tpu.memory_space<vmem>>
        %dma_start3A_20 = tpu.memref_squeeze %dma_start3A_19 : memref<1x128xi32, #tpu.memory_space<vmem>> -> memref<128xi32, #tpu.memory_space<vmem>>
        %dma_start3A_21 = arith.constant 0 : i32
        %dma_start3A_22 = tpu.memref_slice %arg8[%dma_start3A_21] : memref<10240xf32, #tpu.memory_space<vmem_shared>> -> memref<10240xf32, #tpu.memory_space<vmem_shared>>
        tpu.enqueue_indirect_dma source(%dma_start3A_17 : memref<128xf32, #tpu.memory_space<vmem>>) target(%dma_start3A_22 : memref<10240xf32, #tpu.memory_space<vmem_shared>>) offsets(%dma_start3A_20 : memref<128xi32, #tpu.memory_space<vmem>>) semaphore(%run_scoped3A : memref<!tpu.dma_semaphore, #tpu.memory_space<semaphore_mem>>) {add = true}
        %dma_wait3A = arith.constant 0 : i32
        %dma_wait3A_23 = tpu.memref_slice %arg6[%scan3A_15, %dma_wait3A] : memref<79x128xf32, #tpu.memory_space<vmem>> -> memref<1x128xf32, #tpu.memory_space<vmem>>
        %dma_wait3A_24 = tpu.memref_squeeze %dma_wait3A_23 : memref<1x128xf32, #tpu.memory_space<vmem>> -> memref<128xf32, #tpu.memory_space<vmem>>
        %dma_wait3A_25 = arith.constant 0 : i32
        %dma_wait3A_26 = tpu.memref_slice %arg5[%scan3A_15, %dma_wait3A_25] : memref<79x128xi32, #tpu.memory_space<vmem>> -> memref<1x128xi32, #tpu.memory_space<vmem>>
        %dma_wait3A_27 = tpu.memref_squeeze %dma_wait3A_26 : memref<1x128xi32, #tpu.memory_space<vmem>> -> memref<128xi32, #tpu.memory_space<vmem>>
        %dma_wait3A_28 = arith.constant 0 : i32
        %dma_wait3A_29 = tpu.memref_slice %arg8[%dma_wait3A_28] : memref<10240xf32, #tpu.memory_space<vmem_shared>> -> memref<10240xf32, #tpu.memory_space<vmem_shared>>
        tpu.wait_indirect_dma semaphore(%run_scoped3A : memref<!tpu.dma_semaphore, #tpu.memory_space<semaphore_mem>>) src(%dma_wait3A_24 : memref<128xf32, #tpu.memory_space<vmem>>) dst(%dma_wait3A_29 : memref<10240xf32, #tpu.memory_space<vmem_shared>>)
        tpu.yield
      }) : () -> ()
    }
    %scan3A_13 = arith.constant 79 : i32
    %barrier3A_14 = arith.constant 0 : index
    tpu.barrier barrier_id(%barrier3A_14)
    "tpu.region"() ({
      %run_scoped3A = tpu.sem_alloc : memref<!tpu.dma_semaphore, #tpu.memory_space<semaphore_mem>>
      %dma_start3A = tpu.memref_slice %arg4[%arg0, %mul3A_7] : memref<2x10240xf32, #tpu.memory_space<hbm>> -> memref<1x640xf32, #tpu.memory_space<hbm>>
      %dma_start3A_15 = tpu.memref_squeeze %dma_start3A : memref<1x640xf32, #tpu.memory_space<hbm>> -> memref<640xf32, #tpu.memory_space<hbm>>
      %dma_start3A_16 = tpu.memref_slice %arg8[%mul3A_7] : memref<10240xf32, #tpu.memory_space<vmem_shared>> -> memref<640xf32, #tpu.memory_space<vmem_shared>>
      tpu.enqueue_dma source(%dma_start3A_16 : memref<640xf32, #tpu.memory_space<vmem_shared>>) target(%dma_start3A_15 : memref<640xf32, #tpu.memory_space<hbm>>) target_semaphore(%run_scoped3A : memref<!tpu.dma_semaphore, #tpu.memory_space<semaphore_mem>>)
      %dma_wait3A = tpu.memref_slice %arg4[%arg0, %mul3A_7] : memref<2x10240xf32, #tpu.memory_space<hbm>> -> memref<1x640xf32, #tpu.memory_space<hbm>>
      %dma_wait3A_17 = tpu.memref_squeeze %dma_wait3A : memref<1x640xf32, #tpu.memory_space<hbm>> -> memref<640xf32, #tpu.memory_space<hbm>>
      %dma_wait3A_18 = tpu.memref_slice %arg8[%mul3A_7] : memref<10240xf32, #tpu.memory_space<vmem_shared>> -> memref<640xf32, #tpu.memory_space<vmem_shared>>
      tpu.wait_dma2 semaphore(%run_scoped3A : memref<!tpu.dma_semaphore, #tpu.memory_space<semaphore_mem>>) src(%dma_wait3A_18 : memref<640xf32, #tpu.memory_space<vmem_shared>>) dst(%dma_wait3A_17 : memref<640xf32, #tpu.memory_space<hbm>>)
      tpu.yield
    }) : () -> ()
    return
  }
}

#map = affine_map<(d0, d1) -> (0, 0)>
#map1 = affine_map<(d0, d1) -> (0)>
#map2 = affine_map<(d0, d1) -> (0, 0, 0)>
module attributes {stable_mosaic.version = 14 : i64} {
  func.func @seg_rows(%arg0: i32, %arg1: i32, %arg2: memref<10000x128xf32, #tpu.memory_space<hbm>>, %arg3: memref<321536xi32, #tpu.memory_space<hbm>>, %arg4: memref<321536xi32, #tpu.memory_space<hbm>>, %arg5: memref<2x10240x128xf32, #tpu.memory_space<hbm>>, %arg6: memref<128xi32, #tpu.memory_space<vmem>>, %arg7: memref<128xi32, #tpu.memory_space<vmem>>, %arg8: memref<128x128xf32, #tpu.memory_space<vmem>>, %arg9: memref<10240x128xf32, #tpu.memory_space<vmem_shared>>, %arg10: memref<!tpu.dma_semaphore, #tpu.memory_space<semaphore_mem>>) attributes {dimension_semantics = [#tpu.dimension_semantics<core_parallel>, #tpu.dimension_semantics<subcore_parallel>], iteration_bounds = array<i64: 2, 16>, scalar_prefetch = 0 : i64, scratch_operands = 5 : i64, tpu.core_type = #tpu.core_type<sc_vector_subcore>, window_params = [{transform_indices = #map}, {transform_indices = #map1}, {transform_indices = #map1}, {transform_indices = #map2}]} {
    %scan3A = arith.constant 0 : i32
    %scan3A_0 = arith.constant 0 : i32
    %scan3A_1 = arith.constant 128 : i32
    %scan3A_2 = arith.addi %scan3A_0, %scan3A_1 : i32
    %scan3A_3 = arith.constant 1 : i32
    scf.for %scan3A_48 = %scan3A_0 to %scan3A_2 step %scan3A_3  : i32 {
      %broadcast_in_dim3A = arith.constant 0.000000e+00 : f32
      %broadcast_in_dim3A_49 = vector.broadcast %broadcast_in_dim3A : f32 to vector<16xf32>
      %swap3A = arith.index_cast %scan3A_48 : i32 to index
      %swap3A_50 = arith.constant 0 : index
      %swap3A_51 = tpu.vector_load %arg8[%swap3A, %swap3A_50] {strides = array<i32>} : memref<128x128xf32, #tpu.memory_space<vmem>>, vector<1x16xf32>,
      %swap3A_52 = vector.shape_cast %swap3A_51 : vector<1x16xf32> to vector<16xf32>
      %swap3A_53 = vector.shape_cast %broadcast_in_dim3A_49 : vector<16xf32> to vector<1x16xf32>
      tpu.vector_store %arg8[%swap3A, %swap3A_50], %swap3A_53 {strides = array<i32>} : memref<128x128xf32, #tpu.memory_space<vmem>>, vector<1x16xf32>,
      %broadcast_in_dim3A_54 = arith.constant 0.000000e+00 : f32
      %broadcast_in_dim3A_55 = vector.broadcast %broadcast_in_dim3A_54 : f32 to vector<16xf32>
      %swap3A_56 = arith.index_cast %scan3A_48 : i32 to index
      %swap3A_57 = arith.constant 16 : index
      %swap3A_58 = tpu.vector_load %arg8[%swap3A_56, %swap3A_57] {strides = array<i32>} : memref<128x128xf32, #tpu.memory_space<vmem>>, vector<1x16xf32>,
      %swap3A_59 = vector.shape_cast %swap3A_58 : vector<1x16xf32> to vector<16xf32>
      %swap3A_60 = vector.shape_cast %broadcast_in_dim3A_55 : vector<16xf32> to vector<1x16xf32>
      tpu.vector_store %arg8[%swap3A_56, %swap3A_57], %swap3A_60 {strides = array<i32>} : memref<128x128xf32, #tpu.memory_space<vmem>>, vector<1x16xf32>,
      %broadcast_in_dim3A_61 = arith.constant 0.000000e+00 : f32
      %broadcast_in_dim3A_62 = vector.broadcast %broadcast_in_dim3A_61 : f32 to vector<16xf32>
      %swap3A_63 = arith.index_cast %scan3A_48 : i32 to index
      %swap3A_64 = arith.constant 32 : index
      %swap3A_65 = tpu.vector_load %arg8[%swap3A_63, %swap3A_64] {strides = array<i32>} : memref<128x128xf32, #tpu.memory_space<vmem>>, vector<1x16xf32>,
      %swap3A_66 = vector.shape_cast %swap3A_65 : vector<1x16xf32> to vector<16xf32>
      %swap3A_67 = vector.shape_cast %broadcast_in_dim3A_62 : vector<16xf32> to vector<1x16xf32>
      tpu.vector_store %arg8[%swap3A_63, %swap3A_64], %swap3A_67 {strides = array<i32>} : memref<128x128xf32, #tpu.memory_space<vmem>>, vector<1x16xf32>,
      %broadcast_in_dim3A_68 = arith.constant 0.000000e+00 : f32
      %broadcast_in_dim3A_69 = vector.broadcast %broadcast_in_dim3A_68 : f32 to vector<16xf32>
      %swap3A_70 = arith.index_cast %scan3A_48 : i32 to index
      %swap3A_71 = arith.constant 48 : index
      %swap3A_72 = tpu.vector_load %arg8[%swap3A_70, %swap3A_71] {strides = array<i32>} : memref<128x128xf32, #tpu.memory_space<vmem>>, vector<1x16xf32>,
      %swap3A_73 = vector.shape_cast %swap3A_72 : vector<1x16xf32> to vector<16xf32>
      %swap3A_74 = vector.shape_cast %broadcast_in_dim3A_69 : vector<16xf32> to vector<1x16xf32>
      tpu.vector_store %arg8[%swap3A_70, %swap3A_71], %swap3A_74 {strides = array<i32>} : memref<128x128xf32, #tpu.memory_space<vmem>>, vector<1x16xf32>,
      %broadcast_in_dim3A_75 = arith.constant 0.000000e+00 : f32
      %broadcast_in_dim3A_76 = vector.broadcast %broadcast_in_dim3A_75 : f32 to vector<16xf32>
      %swap3A_77 = arith.index_cast %scan3A_48 : i32 to index
      %swap3A_78 = arith.constant 64 : index
      %swap3A_79 = tpu.vector_load %arg8[%swap3A_77, %swap3A_78] {strides = array<i32>} : memref<128x128xf32, #tpu.memory_space<vmem>>, vector<1x16xf32>,
      %swap3A_80 = vector.shape_cast %swap3A_79 : vector<1x16xf32> to vector<16xf32>
      %swap3A_81 = vector.shape_cast %broadcast_in_dim3A_76 : vector<16xf32> to vector<1x16xf32>
      tpu.vector_store %arg8[%swap3A_77, %swap3A_78], %swap3A_81 {strides = array<i32>} : memref<128x128xf32, #tpu.memory_space<vmem>>, vector<1x16xf32>,
      %broadcast_in_dim3A_82 = arith.constant 0.000000e+00 : f32
      %broadcast_in_dim3A_83 = vector.broadcast %broadcast_in_dim3A_82 : f32 to vector<16xf32>
      %swap3A_84 = arith.index_cast %scan3A_48 : i32 to index
      %swap3A_85 = arith.constant 80 : index
      %swap3A_86 = tpu.vector_load %arg8[%swap3A_84, %swap3A_85] {strides = array<i32>} : memref<128x128xf32, #tpu.memory_space<vmem>>, vector<1x16xf32>,
      %swap3A_87 = vector.shape_cast %swap3A_86 : vector<1x16xf32> to vector<16xf32>
      %swap3A_88 = vector.shape_cast %broadcast_in_dim3A_83 : vector<16xf32> to vector<1x16xf32>
      tpu.vector_store %arg8[%swap3A_84, %swap3A_85], %swap3A_88 {strides = array<i32>} : memref<128x128xf32, #tpu.memory_space<vmem>>, vector<1x16xf32>,
      %broadcast_in_dim3A_89 = arith.constant 0.000000e+00 : f32
      %broadcast_in_dim3A_90 = vector.broadcast %broadcast_in_dim3A_89 : f32 to vector<16xf32>
      %swap3A_91 = arith.index_cast %scan3A_48 : i32 to index
      %swap3A_92 = arith.constant 96 : index
      %swap3A_93 = tpu.vector_load %arg8[%swap3A_91, %swap3A_92] {strides = array<i32>} : memref<128x128xf32, #tpu.memory_space<vmem>>, vector<1x16xf32>,
      %swap3A_94 = vector.shape_cast %swap3A_93 : vector<1x16xf32> to vector<16xf32>
      %swap3A_95 = vector.shape_cast %broadcast_in_dim3A_90 : vector<16xf32> to vector<1x16xf32>
      tpu.vector_store %arg8[%swap3A_91, %swap3A_92], %swap3A_95 {strides = array<i32>} : memref<128x128xf32, #tpu.memory_space<vmem>>, vector<1x16xf32>,
      %broadcast_in_dim3A_96 = arith.constant 0.000000e+00 : f32
      %broadcast_in_dim3A_97 = vector.broadcast %broadcast_in_dim3A_96 : f32 to vector<16xf32>
      %swap3A_98 = arith.index_cast %scan3A_48 : i32 to index
      %swap3A_99 = arith.constant 112 : index
      %swap3A_100 = tpu.vector_load %arg8[%swap3A_98, %swap3A_99] {strides = array<i32>} : memref<128x128xf32, #tpu.memory_space<vmem>>, vector<1x16xf32>,
      %swap3A_101 = vector.shape_cast %swap3A_100 : vector<1x16xf32> to vector<16xf32>
      %swap3A_102 = vector.shape_cast %broadcast_in_dim3A_97 : vector<16xf32> to vector<1x16xf32>
      tpu.vector_store %arg8[%swap3A_98, %swap3A_99], %swap3A_102 {strides = array<i32>} : memref<128x128xf32, #tpu.memory_space<vmem>>, vector<1x16xf32>,
    }
    %scan3A_4 = arith.constant 128 : i32
    %mul3A = arith.constant 640 : i32
    %mul3A_5 = arith.muli %arg1, %mul3A : i32
    %add3A = arith.constant 0 : i32
    %add3A_6 = arith.addi %mul3A_5, %add3A : i32
    "tpu.region"() ({
      %run_scoped3A = tpu.sem_alloc : memref<!tpu.dma_semaphore, #tpu.memory_space<semaphore_mem>>
      %dma_start3A = arith.constant 0 : i32
      %dma_start3A_48 = tpu.memref_slice %arg9[%add3A_6, %dma_start3A] : memref<10240x128xf32, #tpu.memory_space<vmem_shared>> -> memref<128x128xf32, #tpu.memory_space<vmem_shared>>
      %dma_start3A_49 = arith.constant 0 : i32
      %dma_start3A_50 = tpu.memref_slice %arg9[%add3A_6, %dma_start3A_49] : memref<10240x128xf32, #tpu.memory_space<vmem_shared>> -> memref<128x128xf32, #tpu.memory_space<vmem_shared>>
      tpu.enqueue_dma source(%arg8 : memref<128x128xf32, #tpu.memory_space<vmem>>) target(%dma_start3A_50 : memref<128x128xf32, #tpu.memory_space<vmem_shared>>) target_semaphore(%run_scoped3A : memref<!tpu.dma_semaphore, #tpu.memory_space<semaphore_mem>>)
      %dma_wait3A = arith.constant 0 : i32
      %dma_wait3A_51 = tpu.memref_slice %arg9[%add3A_6, %dma_wait3A] : memref<10240x128xf32, #tpu.memory_space<vmem_shared>> -> memref<128x128xf32, #tpu.memory_space<vmem_shared>>
      %dma_wait3A_52 = arith.constant 0 : i32
      %dma_wait3A_53 = tpu.memref_slice %arg9[%add3A_6, %dma_wait3A_52] : memref<10240x128xf32, #tpu.memory_space<vmem_shared>> -> memref<128x128xf32, #tpu.memory_space<vmem_shared>>
      tpu.wait_dma2 semaphore(%run_scoped3A : memref<!tpu.dma_semaphore, #tpu.memory_space<semaphore_mem>>) src(%arg8 : memref<128x128xf32, #tpu.memory_space<vmem>>) dst(%dma_wait3A_53 : memref<128x128xf32, #tpu.memory_space<vmem_shared>>)
      tpu.yield
    }) : () -> ()
    %add3A_7 = arith.constant 128 : i32
    %add3A_8 = arith.addi %mul3A_5, %add3A_7 : i32
    "tpu.region"() ({
      %run_scoped3A = tpu.sem_alloc : memref<!tpu.dma_semaphore, #tpu.memory_space<semaphore_mem>>
      %dma_start3A = arith.constant 0 : i32
      %dma_start3A_48 = tpu.memref_slice %arg9[%add3A_8, %dma_start3A] : memref<10240x128xf32, #tpu.memory_space<vmem_shared>> -> memref<128x128xf32, #tpu.memory_space<vmem_shared>>
      %dma_start3A_49 = arith.constant 0 : i32
      %dma_start3A_50 = tpu.memref_slice %arg9[%add3A_8, %dma_start3A_49] : memref<10240x128xf32, #tpu.memory_space<vmem_shared>> -> memref<128x128xf32, #tpu.memory_space<vmem_shared>>
      tpu.enqueue_dma source(%arg8 : memref<128x128xf32, #tpu.memory_space<vmem>>) target(%dma_start3A_50 : memref<128x128xf32, #tpu.memory_space<vmem_shared>>) target_semaphore(%run_scoped3A : memref<!tpu.dma_semaphore, #tpu.memory_space<semaphore_mem>>)
      %dma_wait3A = arith.constant 0 : i32
      %dma_wait3A_51 = tpu.memref_slice %arg9[%add3A_8, %dma_wait3A] : memref<10240x128xf32, #tpu.memory_space<vmem_shared>> -> memref<128x128xf32, #tpu.memory_space<vmem_shared>>
      %dma_wait3A_52 = arith.constant 0 : i32
      %dma_wait3A_53 = tpu.memref_slice %arg9[%add3A_8, %dma_wait3A_52] : memref<10240x128xf32, #tpu.memory_space<vmem_shared>> -> memref<128x128xf32, #tpu.memory_space<vmem_shared>>
      tpu.wait_dma2 semaphore(%run_scoped3A : memref<!tpu.dma_semaphore, #tpu.memory_space<semaphore_mem>>) src(%arg8 : memref<128x128xf32, #tpu.memory_space<vmem>>) dst(%dma_wait3A_53 : memref<128x128xf32, #tpu.memory_space<vmem_shared>>)
      tpu.yield
    }) : () -> ()
    %add3A_9 = arith.constant 256 : i32
    %add3A_10 = arith.addi %mul3A_5, %add3A_9 : i32
    "tpu.region"() ({
      %run_scoped3A = tpu.sem_alloc : memref<!tpu.dma_semaphore, #tpu.memory_space<semaphore_mem>>
      %dma_start3A = arith.constant 0 : i32
      %dma_start3A_48 = tpu.memref_slice %arg9[%add3A_10, %dma_start3A] : memref<10240x128xf32, #tpu.memory_space<vmem_shared>> -> memref<128x128xf32, #tpu.memory_space<vmem_shared>>
      %dma_start3A_49 = arith.constant 0 : i32
      %dma_start3A_50 = tpu.memref_slice %arg9[%add3A_10, %dma_start3A_49] : memref<10240x128xf32, #tpu.memory_space<vmem_shared>> -> memref<128x128xf32, #tpu.memory_space<vmem_shared>>
      tpu.enqueue_dma source(%arg8 : memref<128x128xf32, #tpu.memory_space<vmem>>) target(%dma_start3A_50 : memref<128x128xf32, #tpu.memory_space<vmem_shared>>) target_semaphore(%run_scoped3A : memref<!tpu.dma_semaphore, #tpu.memory_space<semaphore_mem>>)
      %dma_wait3A = arith.constant 0 : i32
      %dma_wait3A_51 = tpu.memref_slice %arg9[%add3A_10, %dma_wait3A] : memref<10240x128xf32, #tpu.memory_space<vmem_shared>> -> memref<128x128xf32, #tpu.memory_space<vmem_shared>>
      %dma_wait3A_52 = arith.constant 0 : i32
      %dma_wait3A_53 = tpu.memref_slice %arg9[%add3A_10, %dma_wait3A_52] : memref<10240x128xf32, #tpu.memory_space<vmem_shared>> -> memref<128x128xf32, #tpu.memory_space<vmem_shared>>
      tpu.wait_dma2 semaphore(%run_scoped3A : memref<!tpu.dma_semaphore, #tpu.memory_space<semaphore_mem>>) src(%arg8 : memref<128x128xf32, #tpu.memory_space<vmem>>) dst(%dma_wait3A_53 : memref<128x128xf32, #tpu.memory_space<vmem_shared>>)
      tpu.yield
    }) : () -> ()
    %add3A_11 = arith.constant 384 : i32
    %add3A_12 = arith.addi %mul3A_5, %add3A_11 : i32
    "tpu.region"() ({
      %run_scoped3A = tpu.sem_alloc : memref<!tpu.dma_semaphore, #tpu.memory_space<semaphore_mem>>
      %dma_start3A = arith.constant 0 : i32
      %dma_start3A_48 = tpu.memref_slice %arg9[%add3A_12, %dma_start3A] : memref<10240x128xf32, #tpu.memory_space<vmem_shared>> -> memref<128x128xf32, #tpu.memory_space<vmem_shared>>
      %dma_start3A_49 = arith.constant 0 : i32
      %dma_start3A_50 = tpu.memref_slice %arg9[%add3A_12, %dma_start3A_49] : memref<10240x128xf32, #tpu.memory_space<vmem_shared>> -> memref<128x128xf32, #tpu.memory_space<vmem_shared>>
      tpu.enqueue_dma source(%arg8 : memref<128x128xf32, #tpu.memory_space<vmem>>) target(%dma_start3A_50 : memref<128x128xf32, #tpu.memory_space<vmem_shared>>) target_semaphore(%run_scoped3A : memref<!tpu.dma_semaphore, #tpu.memory_space<semaphore_mem>>)
      %dma_wait3A = arith.constant 0 : i32
      %dma_wait3A_51 = tpu.memref_slice %arg9[%add3A_12, %dma_wait3A] : memref<10240x128xf32, #tpu.memory_space<vmem_shared>> -> memref<128x128xf32, #tpu.memory_space<vmem_shared>>
      %dma_wait3A_52 = arith.constant 0 : i32
      %dma_wait3A_53 = tpu.memref_slice %arg9[%add3A_12, %dma_wait3A_52] : memref<10240x128xf32, #tpu.memory_space<vmem_shared>> -> memref<128x128xf32, #tpu.memory_space<vmem_shared>>
      tpu.wait_dma2 semaphore(%run_scoped3A : memref<!tpu.dma_semaphore, #tpu.memory_space<semaphore_mem>>) src(%arg8 : memref<128x128xf32, #tpu.memory_space<vmem>>) dst(%dma_wait3A_53 : memref<128x128xf32, #tpu.memory_space<vmem_shared>>)
      tpu.yield
    }) : () -> ()
    %add3A_13 = arith.constant 512 : i32
    %add3A_14 = arith.addi %mul3A_5, %add3A_13 : i32
    "tpu.region"() ({
      %run_scoped3A = tpu.sem_alloc : memref<!tpu.dma_semaphore, #tpu.memory_space<semaphore_mem>>
      %dma_start3A = arith.constant 0 : i32
      %dma_start3A_48 = tpu.memref_slice %arg9[%add3A_14, %dma_start3A] : memref<10240x128xf32, #tpu.memory_space<vmem_shared>> -> memref<128x128xf32, #tpu.memory_space<vmem_shared>>
      %dma_start3A_49 = arith.constant 0 : i32
      %dma_start3A_50 = tpu.memref_slice %arg9[%add3A_14, %dma_start3A_49] : memref<10240x128xf32, #tpu.memory_space<vmem_shared>> -> memref<128x128xf32, #tpu.memory_space<vmem_shared>>
      tpu.enqueue_dma source(%arg8 : memref<128x128xf32, #tpu.memory_space<vmem>>) target(%dma_start3A_50 : memref<128x128xf32, #tpu.memory_space<vmem_shared>>) target_semaphore(%run_scoped3A : memref<!tpu.dma_semaphore, #tpu.memory_space<semaphore_mem>>)
      %dma_wait3A = arith.constant 0 : i32
      %dma_wait3A_51 = tpu.memref_slice %arg9[%add3A_14, %dma_wait3A] : memref<10240x128xf32, #tpu.memory_space<vmem_shared>> -> memref<128x128xf32, #tpu.memory_space<vmem_shared>>
      %dma_wait3A_52 = arith.constant 0 : i32
      %dma_wait3A_53 = tpu.memref_slice %arg9[%add3A_14, %dma_wait3A_52] : memref<10240x128xf32, #tpu.memory_space<vmem_shared>> -> memref<128x128xf32, #tpu.memory_space<vmem_shared>>
      tpu.wait_dma2 semaphore(%run_scoped3A : memref<!tpu.dma_semaphore, #tpu.memory_space<semaphore_mem>>) src(%arg8 : memref<128x128xf32, #tpu.memory_space<vmem>>) dst(%dma_wait3A_53 : memref<128x128xf32, #tpu.memory_space<vmem_shared>>)
      tpu.yield
    }) : () -> ()
    %barrier3A = arith.constant 0 : index
    tpu.barrier barrier_id(%barrier3A)
    %eq3A = arith.constant 0 : i32
    %eq3A_15 = arith.cmpi eq, %arg0, %eq3A : i32
    %jit3A = arith.constant 99 : i32
    %jit3A_16 = arith.constant 58 : i32
    %select_n3A = arith.select %eq3A_15, %jit3A, %jit3A_16 : i32
    %eq3A_17 = arith.constant 0 : i32
    %eq3A_18 = arith.cmpi eq, %arg0, %eq3A_17 : i32
    %mul3A_19 = arith.constant 99 : i32
    %mul3A_20 = arith.muli %arg1, %mul3A_19 : i32
    %mul3A_21 = arith.constant 58 : i32
    %mul3A_22 = arith.muli %arg1, %mul3A_21 : i32
    %add3A_23 = arith.constant 1584 : i32
    %add3A_24 = arith.addi %add3A_23, %mul3A_22 : i32
    %select_n3A_25 = arith.select %eq3A_18, %mul3A_20, %add3A_24 : i32
    %mul3A_26 = arith.constant 128 : i32
    %mul3A_27 = arith.muli %select_n3A_25, %mul3A_26 : i32
    %while3A = arith.constant 0 : i32
    %while3A_28 = arith.constant 0 : i32
    %while3A_29 = arith.subi %select_n3A, %while3A_28 : i32
    %while3A_30 = arith.addi %while3A_28, %while3A_29 : i32
    %while3A_31 = arith.constant 1 : i32
    %while3A_32 = arith.divsi %while3A_29, %while3A_31 : i32
    %while3A_33 = arith.muli %while3A_32, %while3A_31 : i32
    %while3A_34 = arith.addi %while3A_28, %while3A_33 : i32
    %while3A_35 = arith.constant 1 : i32
    scf.for %while3A_48 = %while3A_28 to %while3A_34 step %while3A_35  : i32 {
      %mul3A_49 = arith.constant 128 : i32
      %mul3A_50 = arith.muli %while3A_48, %mul3A_49 : i32
      %add3A_51 = arith.addi %mul3A_27, %mul3A_50 : i32
      "tpu.region"() ({
        %run_scoped3A = tpu.sem_alloc : memref<!tpu.dma_semaphore, #tpu.memory_space<semaphore_mem>>
        %dma_start3A_56 = tpu.memref_slice %arg3[%add3A_51] : memref<321536xi32, #tpu.memory_space<hbm>> -> memref<128xi32, #tpu.memory_space<hbm>>
        %dma_start3A_57 = tpu.memref_slice %arg3[%add3A_51] : memref<321536xi32, #tpu.memory_space<hbm>> -> memref<128xi32, #tpu.memory_space<hbm>>
        tpu.enqueue_dma source(%dma_start3A_57 : memref<128xi32, #tpu.memory_space<hbm>>) target(%arg6 : memref<128xi32, #tpu.memory_space<vmem>>) target_semaphore(%run_scoped3A : memref<!tpu.dma_semaphore, #tpu.memory_space<semaphore_mem>>)
        %dma_wait3A_58 = tpu.memref_slice %arg3[%add3A_51] : memref<321536xi32, #tpu.memory_space<hbm>> -> memref<128xi32, #tpu.memory_space<hbm>>
        %dma_wait3A_59 = tpu.memref_slice %arg3[%add3A_51] : memref<321536xi32, #tpu.memory_space<hbm>> -> memref<128xi32, #tpu.memory_space<hbm>>
        tpu.wait_dma2 semaphore(%run_scoped3A : memref<!tpu.dma_semaphore, #tpu.memory_space<semaphore_mem>>) src(%dma_wait3A_59 : memref<128xi32, #tpu.memory_space<hbm>>) dst(%arg6 : memref<128xi32, #tpu.memory_space<vmem>>)
        tpu.yield
      }) : () -> ()
      "tpu.region"() ({
        %run_scoped3A = tpu.sem_alloc : memref<!tpu.dma_semaphore, #tpu.memory_space<semaphore_mem>>
        %dma_start3A_56 = tpu.memref_slice %arg4[%add3A_51] : memref<321536xi32, #tpu.memory_space<hbm>> -> memref<128xi32, #tpu.memory_space<hbm>>
        %dma_start3A_57 = tpu.memref_slice %arg4[%add3A_51] : memref<321536xi32, #tpu.memory_space<hbm>> -> memref<128xi32, #tpu.memory_space<hbm>>
        tpu.enqueue_dma source(%dma_start3A_57 : memref<128xi32, #tpu.memory_space<hbm>>) target(%arg7 : memref<128xi32, #tpu.memory_space<vmem>>) target_semaphore(%run_scoped3A : memref<!tpu.dma_semaphore, #tpu.memory_space<semaphore_mem>>)
        %dma_wait3A_58 = tpu.memref_slice %arg4[%add3A_51] : memref<321536xi32, #tpu.memory_space<hbm>> -> memref<128xi32, #tpu.memory_space<hbm>>
        %dma_wait3A_59 = tpu.memref_slice %arg4[%add3A_51] : memref<321536xi32, #tpu.memory_space<hbm>> -> memref<128xi32, #tpu.memory_space<hbm>>
        tpu.wait_dma2 semaphore(%run_scoped3A : memref<!tpu.dma_semaphore, #tpu.memory_space<semaphore_mem>>) src(%dma_wait3A_59 : memref<128xi32, #tpu.memory_space<hbm>>) dst(%arg7 : memref<128xi32, #tpu.memory_space<vmem>>)
        tpu.yield
      }) : () -> ()
      %dma_start3A = arith.constant 0 : i32
      %dma_start3A_52 = arith.constant 0 : i32
      %dma_start3A_53 = tpu.memref_slice %arg2[%dma_start3A, %dma_start3A_52] : memref<10000x128xf32, #tpu.memory_space<hbm>> -> memref<10000x128xf32, #tpu.memory_space<hbm>>
      tpu.enqueue_indirect_dma source(%dma_start3A_53 : memref<10000x128xf32, #tpu.memory_space<hbm>>) target(%arg8 : memref<128x128xf32, #tpu.memory_space<vmem>>) offsets(%arg6 : memref<128xi32, #tpu.memory_space<vmem>>) semaphore(%arg10 : memref<!tpu.dma_semaphore, #tpu.memory_space<semaphore_mem>>)
      %dma_wait3A = arith.constant 0 : i32
      %dma_wait3A_54 = arith.constant 0 : i32
      %dma_wait3A_55 = tpu.memref_slice %arg2[%dma_wait3A, %dma_wait3A_54] : memref<10000x128xf32, #tpu.memory_space<hbm>> -> memref<10000x128xf32, #tpu.memory_space<hbm>>
      tpu.wait_indirect_dma semaphore(%arg10 : memref<!tpu.dma_semaphore, #tpu.memory_space<semaphore_mem>>) src(%dma_wait3A_55 : memref<10000x128xf32, #tpu.memory_space<hbm>>) dst(%arg8 : memref<128x128xf32, #tpu.memory_space<vmem>>)
      "tpu.region"() ({
        %run_scoped3A = tpu.sem_alloc : memref<!tpu.dma_semaphore, #tpu.memory_space<semaphore_mem>>
        %dma_start3A_56 = arith.constant 0 : i32
        %dma_start3A_57 = arith.constant 0 : i32
        %dma_start3A_58 = tpu.memref_slice %arg9[%dma_start3A_56, %dma_start3A_57] : memref<10240x128xf32, #tpu.memory_space<vmem_shared>> -> memref<10240x128xf32, #tpu.memory_space<vmem_shared>>
        tpu.enqueue_indirect_dma source(%arg8 : memref<128x128xf32, #tpu.memory_space<vmem>>) target(%dma_start3A_58 : memref<10240x128xf32, #tpu.memory_space<vmem_shared>>) offsets(%arg7 : memref<128xi32, #tpu.memory_space<vmem>>) semaphore(%run_scoped3A : memref<!tpu.dma_semaphore, #tpu.memory_space<semaphore_mem>>) {add = true}
        %dma_wait3A_59 = arith.constant 0 : i32
        %dma_wait3A_60 = arith.constant 0 : i32
        %dma_wait3A_61 = tpu.memref_slice %arg9[%dma_wait3A_59, %dma_wait3A_60] : memref<10240x128xf32, #tpu.memory_space<vmem_shared>> -> memref<10240x128xf32, #tpu.memory_space<vmem_shared>>
        tpu.wait_indirect_dma semaphore(%run_scoped3A : memref<!tpu.dma_semaphore, #tpu.memory_space<semaphore_mem>>) src(%arg8 : memref<128x128xf32, #tpu.memory_space<vmem>>) dst(%dma_wait3A_61 : memref<10240x128xf32, #tpu.memory_space<vmem_shared>>)
        tpu.yield
      }) : () -> ()
    }
    %while3A_36 = arith.constant 1 : i32
    scf.for %while3A_48 = %while3A_34 to %while3A_30 step %while3A_36  : i32 {
      %mul3A_49 = arith.constant 128 : i32
      %mul3A_50 = arith.muli %while3A_48, %mul3A_49 : i32
      %add3A_51 = arith.addi %mul3A_27, %mul3A_50 : i32
      "tpu.region"() ({
        %run_scoped3A = tpu.sem_alloc : memref<!tpu.dma_semaphore, #tpu.memory_space<semaphore_mem>>
        %dma_start3A_56 = tpu.memref_slice %arg3[%add3A_51] : memref<321536xi32, #tpu.memory_space<hbm>> -> memref<128xi32, #tpu.memory_space<hbm>>
        %dma_start3A_57 = tpu.memref_slice %arg3[%add3A_51] : memref<321536xi32, #tpu.memory_space<hbm>> -> memref<128xi32, #tpu.memory_space<hbm>>
        tpu.enqueue_dma source(%dma_start3A_57 : memref<128xi32, #tpu.memory_space<hbm>>) target(%arg6 : memref<128xi32, #tpu.memory_space<vmem>>) target_semaphore(%run_scoped3A : memref<!tpu.dma_semaphore, #tpu.memory_space<semaphore_mem>>)
        %dma_wait3A_58 = tpu.memref_slice %arg3[%add3A_51] : memref<321536xi32, #tpu.memory_space<hbm>> -> memref<128xi32, #tpu.memory_space<hbm>>
        %dma_wait3A_59 = tpu.memref_slice %arg3[%add3A_51] : memref<321536xi32, #tpu.memory_space<hbm>> -> memref<128xi32, #tpu.memory_space<hbm>>
        tpu.wait_dma2 semaphore(%run_scoped3A : memref<!tpu.dma_semaphore, #tpu.memory_space<semaphore_mem>>) src(%dma_wait3A_59 : memref<128xi32, #tpu.memory_space<hbm>>) dst(%arg6 : memref<128xi32, #tpu.memory_space<vmem>>)
        tpu.yield
      }) : () -> ()
      "tpu.region"() ({
        %run_scoped3A = tpu.sem_alloc : memref<!tpu.dma_semaphore, #tpu.memory_space<semaphore_mem>>
        %dma_start3A_56 = tpu.memref_slice %arg4[%add3A_51] : memref<321536xi32, #tpu.memory_space<hbm>> -> memref<128xi32, #tpu.memory_space<hbm>>
        %dma_start3A_57 = tpu.memref_slice %arg4[%add3A_51] : memref<321536xi32, #tpu.memory_space<hbm>> -> memref<128xi32, #tpu.memory_space<hbm>>
        tpu.enqueue_dma source(%dma_start3A_57 : memref<128xi32, #tpu.memory_space<hbm>>) target(%arg7 : memref<128xi32, #tpu.memory_space<vmem>>) target_semaphore(%run_scoped3A : memref<!tpu.dma_semaphore, #tpu.memory_space<semaphore_mem>>)
        %dma_wait3A_58 = tpu.memref_slice %arg4[%add3A_51] : memref<321536xi32, #tpu.memory_space<hbm>> -> memref<128xi32, #tpu.memory_space<hbm>>
        %dma_wait3A_59 = tpu.memref_slice %arg4[%add3A_51] : memref<321536xi32, #tpu.memory_space<hbm>> -> memref<128xi32, #tpu.memory_space<hbm>>
        tpu.wait_dma2 semaphore(%run_scoped3A : memref<!tpu.dma_semaphore, #tpu.memory_space<semaphore_mem>>) src(%dma_wait3A_59 : memref<128xi32, #tpu.memory_space<hbm>>) dst(%arg7 : memref<128xi32, #tpu.memory_space<vmem>>)
        tpu.yield
      }) : () -> ()
      %dma_start3A = arith.constant 0 : i32
      %dma_start3A_52 = arith.constant 0 : i32
      %dma_start3A_53 = tpu.memref_slice %arg2[%dma_start3A, %dma_start3A_52] : memref<10000x128xf32, #tpu.memory_space<hbm>> -> memref<10000x128xf32, #tpu.memory_space<hbm>>
      tpu.enqueue_indirect_dma source(%dma_start3A_53 : memref<10000x128xf32, #tpu.memory_space<hbm>>) target(%arg8 : memref<128x128xf32, #tpu.memory_space<vmem>>) offsets(%arg6 : memref<128xi32, #tpu.memory_space<vmem>>) semaphore(%arg10 : memref<!tpu.dma_semaphore, #tpu.memory_space<semaphore_mem>>)
      %dma_wait3A = arith.constant 0 : i32
      %dma_wait3A_54 = arith.constant 0 : i32
      %dma_wait3A_55 = tpu.memref_slice %arg2[%dma_wait3A, %dma_wait3A_54] : memref<10000x128xf32, #tpu.memory_space<hbm>> -> memref<10000x128xf32, #tpu.memory_space<hbm>>
      tpu.wait_indirect_dma semaphore(%arg10 : memref<!tpu.dma_semaphore, #tpu.memory_space<semaphore_mem>>) src(%dma_wait3A_55 : memref<10000x128xf32, #tpu.memory_space<hbm>>) dst(%arg8 : memref<128x128xf32, #tpu.memory_space<vmem>>)
      "tpu.region"() ({
        %run_scoped3A = tpu.sem_alloc : memref<!tpu.dma_semaphore, #tpu.memory_space<semaphore_mem>>
        %dma_start3A_56 = arith.constant 0 : i32
        %dma_start3A_57 = arith.constant 0 : i32
        %dma_start3A_58 = tpu.memref_slice %arg9[%dma_start3A_56, %dma_start3A_57] : memref<10240x128xf32, #tpu.memory_space<vmem_shared>> -> memref<10240x128xf32, #tpu.memory_space<vmem_shared>>
        tpu.enqueue_indirect_dma source(%arg8 : memref<128x128xf32, #tpu.memory_space<vmem>>) target(%dma_start3A_58 : memref<10240x128xf32, #tpu.memory_space<vmem_shared>>) offsets(%arg7 : memref<128xi32, #tpu.memory_space<vmem>>) semaphore(%run_scoped3A : memref<!tpu.dma_semaphore, #tpu.memory_space<semaphore_mem>>) {add = true}
        %dma_wait3A_59 = arith.constant 0 : i32
        %dma_wait3A_60 = arith.constant 0 : i32
        %dma_wait3A_61 = tpu.memref_slice %arg9[%dma_wait3A_59, %dma_wait3A_60] : memref<10240x128xf32, #tpu.memory_space<vmem_shared>> -> memref<10240x128xf32, #tpu.memory_space<vmem_shared>>
        tpu.wait_indirect_dma semaphore(%run_scoped3A : memref<!tpu.dma_semaphore, #tpu.memory_space<semaphore_mem>>) src(%arg8 : memref<128x128xf32, #tpu.memory_space<vmem>>) dst(%dma_wait3A_61 : memref<10240x128xf32, #tpu.memory_space<vmem_shared>>)
        tpu.yield
      }) : () -> ()
    }
    %barrier3A_37 = arith.constant 0 : index
    tpu.barrier barrier_id(%barrier3A_37)
    %add3A_38 = arith.constant 0 : i32
    %add3A_39 = arith.addi %mul3A_5, %add3A_38 : i32
    "tpu.region"() ({
      %run_scoped3A = tpu.sem_alloc : memref<!tpu.dma_semaphore, #tpu.memory_space<semaphore_mem>>
      %dma_start3A = arith.constant 0 : i32
      %dma_start3A_48 = tpu.memref_slice %arg5[%arg0, %add3A_39, %dma_start3A] : memref<2x10240x128xf32, #tpu.memory_space<hbm>> -> memref<1x128x128xf32, #tpu.memory_space<hbm>>
      %dma_start3A_49 = tpu.memref_squeeze %dma_start3A_48 : memref<1x128x128xf32, #tpu.memory_space<hbm>> -> memref<128x128xf32, #tpu.memory_space<hbm>>
      %dma_start3A_50 = arith.constant 0 : i32
      %dma_start3A_51 = tpu.memref_slice %arg9[%add3A_39, %dma_start3A_50] : memref<10240x128xf32, #tpu.memory_space<vmem_shared>> -> memref<128x128xf32, #tpu.memory_space<vmem_shared>>
      tpu.enqueue_dma source(%dma_start3A_51 : memref<128x128xf32, #tpu.memory_space<vmem_shared>>) target(%dma_start3A_49 : memref<128x128xf32, #tpu.memory_space<hbm>>) target_semaphore(%run_scoped3A : memref<!tpu.dma_semaphore, #tpu.memory_space<semaphore_mem>>)
      %dma_wait3A = arith.constant 0 : i32
      %dma_wait3A_52 = tpu.memref_slice %arg5[%arg0, %add3A_39, %dma_wait3A] : memref<2x10240x128xf32, #tpu.memory_space<hbm>> -> memref<1x128x128xf32, #tpu.memory_space<hbm>>
      %dma_wait3A_53 = tpu.memref_squeeze %dma_wait3A_52 : memref<1x128x128xf32, #tpu.memory_space<hbm>> -> memref<128x128xf32, #tpu.memory_space<hbm>>
      %dma_wait3A_54 = arith.constant 0 : i32
      %dma_wait3A_55 = tpu.memref_slice %arg9[%add3A_39, %dma_wait3A_54] : memref<10240x128xf32, #tpu.memory_space<vmem_shared>> -> memref<128x128xf32, #tpu.memory_space<vmem_shared>>
      tpu.wait_dma2 semaphore(%run_scoped3A : memref<!tpu.dma_semaphore, #tpu.memory_space<semaphore_mem>>) src(%dma_wait3A_55 : memref<128x128xf32, #tpu.memory_space<vmem_shared>>) dst(%dma_wait3A_53 : memref<128x128xf32, #tpu.memory_space<hbm>>)
      tpu.yield
    }) : () -> ()
    %add3A_40 = arith.constant 128 : i32
    %add3A_41 = arith.addi %mul3A_5, %add3A_40 : i32
    "tpu.region"() ({
      %run_scoped3A = tpu.sem_alloc : memref<!tpu.dma_semaphore, #tpu.memory_space<semaphore_mem>>
      %dma_start3A = arith.constant 0 : i32
      %dma_start3A_48 = tpu.memref_slice %arg5[%arg0, %add3A_41, %dma_start3A] : memref<2x10240x128xf32, #tpu.memory_space<hbm>> -> memref<1x128x128xf32, #tpu.memory_space<hbm>>
      %dma_start3A_49 = tpu.memref_squeeze %dma_start3A_48 : memref<1x128x128xf32, #tpu.memory_space<hbm>> -> memref<128x128xf32, #tpu.memory_space<hbm>>
      %dma_start3A_50 = arith.constant 0 : i32
      %dma_start3A_51 = tpu.memref_slice %arg9[%add3A_41, %dma_start3A_50] : memref<10240x128xf32, #tpu.memory_space<vmem_shared>> -> memref<128x128xf32, #tpu.memory_space<vmem_shared>>
      tpu.enqueue_dma source(%dma_start3A_51 : memref<128x128xf32, #tpu.memory_space<vmem_shared>>) target(%dma_start3A_49 : memref<128x128xf32, #tpu.memory_space<hbm>>) target_semaphore(%run_scoped3A : memref<!tpu.dma_semaphore, #tpu.memory_space<semaphore_mem>>)
      %dma_wait3A = arith.constant 0 : i32
      %dma_wait3A_52 = tpu.memref_slice %arg5[%arg0, %add3A_41, %dma_wait3A] : memref<2x10240x128xf32, #tpu.memory_space<hbm>> -> memref<1x128x128xf32, #tpu.memory_space<hbm>>
      %dma_wait3A_53 = tpu.memref_squeeze %dma_wait3A_52 : memref<1x128x128xf32, #tpu.memory_space<hbm>> -> memref<128x128xf32, #tpu.memory_space<hbm>>
      %dma_wait3A_54 = arith.constant 0 : i32
      %dma_wait3A_55 = tpu.memref_slice %arg9[%add3A_41, %dma_wait3A_54] : memref<10240x128xf32, #tpu.memory_space<vmem_shared>> -> memref<128x128xf32, #tpu.memory_space<vmem_shared>>
      tpu.wait_dma2 semaphore(%run_scoped3A : memref<!tpu.dma_semaphore, #tpu.memory_space<semaphore_mem>>) src(%dma_wait3A_55 : memref<128x128xf32, #tpu.memory_space<vmem_shared>>) dst(%dma_wait3A_53 : memref<128x128xf32, #tpu.memory_space<hbm>>)
      tpu.yield
    }) : () -> ()
    %add3A_42 = arith.constant 256 : i32
    %add3A_43 = arith.addi %mul3A_5, %add3A_42 : i32
    "tpu.region"() ({
      %run_scoped3A = tpu.sem_alloc : memref<!tpu.dma_semaphore, #tpu.memory_space<semaphore_mem>>
      %dma_start3A = arith.constant 0 : i32
      %dma_start3A_48 = tpu.memref_slice %arg5[%arg0, %add3A_43, %dma_start3A] : memref<2x10240x128xf32, #tpu.memory_space<hbm>> -> memref<1x128x128xf32, #tpu.memory_space<hbm>>
      %dma_start3A_49 = tpu.memref_squeeze %dma_start3A_48 : memref<1x128x128xf32, #tpu.memory_space<hbm>> -> memref<128x128xf32, #tpu.memory_space<hbm>>
      %dma_start3A_50 = arith.constant 0 : i32
      %dma_start3A_51 = tpu.memref_slice %arg9[%add3A_43, %dma_start3A_50] : memref<10240x128xf32, #tpu.memory_space<vmem_shared>> -> memref<128x128xf32, #tpu.memory_space<vmem_shared>>
      tpu.enqueue_dma source(%dma_start3A_51 : memref<128x128xf32, #tpu.memory_space<vmem_shared>>) target(%dma_start3A_49 : memref<128x128xf32, #tpu.memory_space<hbm>>) target_semaphore(%run_scoped3A : memref<!tpu.dma_semaphore, #tpu.memory_space<semaphore_mem>>)
      %dma_wait3A = arith.constant 0 : i32
      %dma_wait3A_52 = tpu.memref_slice %arg5[%arg0, %add3A_43, %dma_wait3A] : memref<2x10240x128xf32, #tpu.memory_space<hbm>> -> memref<1x128x128xf32, #tpu.memory_space<hbm>>
      %dma_wait3A_53 = tpu.memref_squeeze %dma_wait3A_52 : memref<1x128x128xf32, #tpu.memory_space<hbm>> -> memref<128x128xf32, #tpu.memory_space<hbm>>
      %dma_wait3A_54 = arith.constant 0 : i32
      %dma_wait3A_55 = tpu.memref_slice %arg9[%add3A_43, %dma_wait3A_54] : memref<10240x128xf32, #tpu.memory_space<vmem_shared>> -> memref<128x128xf32, #tpu.memory_space<vmem_shared>>
      tpu.wait_dma2 semaphore(%run_scoped3A : memref<!tpu.dma_semaphore, #tpu.memory_space<semaphore_mem>>) src(%dma_wait3A_55 : memref<128x128xf32, #tpu.memory_space<vmem_shared>>) dst(%dma_wait3A_53 : memref<128x128xf32, #tpu.memory_space<hbm>>)
      tpu.yield
    }) : () -> ()
    %add3A_44 = arith.constant 384 : i32
    %add3A_45 = arith.addi %mul3A_5, %add3A_44 : i32
    "tpu.region"() ({
      %run_scoped3A = tpu.sem_alloc : memref<!tpu.dma_semaphore, #tpu.memory_space<semaphore_mem>>
      %dma_start3A = arith.constant 0 : i32
      %dma_start3A_48 = tpu.memref_slice %arg5[%arg0, %add3A_45, %dma_start3A] : memref<2x10240x128xf32, #tpu.memory_space<hbm>> -> memref<1x128x128xf32, #tpu.memory_space<hbm>>
      %dma_start3A_49 = tpu.memref_squeeze %dma_start3A_48 : memref<1x128x128xf32, #tpu.memory_space<hbm>> -> memref<128x128xf32, #tpu.memory_space<hbm>>
      %dma_start3A_50 = arith.constant 0 : i32
      %dma_start3A_51 = tpu.memref_slice %arg9[%add3A_45, %dma_start3A_50] : memref<10240x128xf32, #tpu.memory_space<vmem_shared>> -> memref<128x128xf32, #tpu.memory_space<vmem_shared>>
      tpu.enqueue_dma source(%dma_start3A_51 : memref<128x128xf32, #tpu.memory_space<vmem_shared>>) target(%dma_start3A_49 : memref<128x128xf32, #tpu.memory_space<hbm>>) target_semaphore(%run_scoped3A : memref<!tpu.dma_semaphore, #tpu.memory_space<semaphore_mem>>)
      %dma_wait3A = arith.constant 0 : i32
      %dma_wait3A_52 = tpu.memref_slice %arg5[%arg0, %add3A_45, %dma_wait3A] : memref<2x10240x128xf32, #tpu.memory_space<hbm>> -> memref<1x128x128xf32, #tpu.memory_space<hbm>>
      %dma_wait3A_53 = tpu.memref_squeeze %dma_wait3A_52 : memref<1x128x128xf32, #tpu.memory_space<hbm>> -> memref<128x128xf32, #tpu.memory_space<hbm>>
      %dma_wait3A_54 = arith.constant 0 : i32
      %dma_wait3A_55 = tpu.memref_slice %arg9[%add3A_45, %dma_wait3A_54] : memref<10240x128xf32, #tpu.memory_space<vmem_shared>> -> memref<128x128xf32, #tpu.memory_space<vmem_shared>>
      tpu.wait_dma2 semaphore(%run_scoped3A : memref<!tpu.dma_semaphore, #tpu.memory_space<semaphore_mem>>) src(%dma_wait3A_55 : memref<128x128xf32, #tpu.memory_space<vmem_shared>>) dst(%dma_wait3A_53 : memref<128x128xf32, #tpu.memory_space<hbm>>)
      tpu.yield
    }) : () -> ()
    %add3A_46 = arith.constant 512 : i32
    %add3A_47 = arith.addi %mul3A_5, %add3A_46 : i32
    "tpu.region"() ({
      %run_scoped3A = tpu.sem_alloc : memref<!tpu.dma_semaphore, #tpu.memory_space<semaphore_mem>>
      %dma_start3A = arith.constant 0 : i32
      %dma_start3A_48 = tpu.memref_slice %arg5[%arg0, %add3A_47, %dma_start3A] : memref<2x10240x128xf32, #tpu.memory_space<hbm>> -> memref<1x128x128xf32, #tpu.memory_space<hbm>>
      %dma_start3A_49 = tpu.memref_squeeze %dma_start3A_48 : memref<1x128x128xf32, #tpu.memory_space<hbm>> -> memref<128x128xf32, #tpu.memory_space<hbm>>
      %dma_start3A_50 = arith.constant 0 : i32
      %dma_start3A_51 = tpu.memref_slice %arg9[%add3A_47, %dma_start3A_50] : memref<10240x128xf32, #tpu.memory_space<vmem_shared>> -> memref<128x128xf32, #tpu.memory_space<vmem_shared>>
      tpu.enqueue_dma source(%dma_start3A_51 : memref<128x128xf32, #tpu.memory_space<vmem_shared>>) target(%dma_start3A_49 : memref<128x128xf32, #tpu.memory_space<hbm>>) target_semaphore(%run_scoped3A : memref<!tpu.dma_semaphore, #tpu.memory_space<semaphore_mem>>)
      %dma_wait3A = arith.constant 0 : i32
      %dma_wait3A_52 = tpu.memref_slice %arg5[%arg0, %add3A_47, %dma_wait3A] : memref<2x10240x128xf32, #tpu.memory_space<hbm>> -> memref<1x128x128xf32, #tpu.memory_space<hbm>>
      %dma_wait3A_53 = tpu.memref_squeeze %dma_wait3A_52 : memref<1x128x128xf32, #tpu.memory_space<hbm>> -> memref<128x128xf32, #tpu.memory_space<hbm>>
      %dma_wait3A_54 = arith.constant 0 : i32
      %dma_wait3A_55 = tpu.memref_slice %arg9[%add3A_47, %dma_wait3A_54] : memref<10240x128xf32, #tpu.memory_space<vmem_shared>> -> memref<128x128xf32, #tpu.memory_space<vmem_shared>>
      tpu.wait_dma2 semaphore(%run_scoped3A : memref<!tpu.dma_semaphore, #tpu.memory_space<semaphore_mem>>) src(%dma_wait3A_55 : memref<128x128xf32, #tpu.memory_space<vmem_shared>>) dst(%dma_wait3A_53 : memref<128x128xf32, #tpu.memory_space<hbm>>)
      tpu.yield
    }) : () -> ()
    return
  }
}

module attributes {stable_mosaic.version = 14 : i64} {
  func.func @_k1_body(%arg0: i32, %arg1: memref<1000x1xi32, #tpu.memory_space<vmem>>, %arg2: memref<1000x1xf32, #tpu.memory_space<vmem>>, %arg3: memref<1000x1xf32, #tpu.memory_space<vmem>>, %arg4: memref<1x128xf32, #tpu.memory_space<vmem>>, %arg5: memref<128x128xf32, #tpu.memory_space<vmem>>, %arg6: memref<1x128xf32, #tpu.memory_space<vmem>>, %arg7: memref<1000x128xf32, #tpu.memory_space<vmem>>, %arg8: memref<1000x128xf32, #tpu.memory_space<vmem>>, %arg9: memref<1000x128xf32, #tpu.memory_space<vmem>>) attributes {dimension_semantics = [#tpu.dimension_semantics<arbitrary>], iteration_bounds = array<i64: 10>, scalar_prefetch = 0 : i64, scratch_operands = 0 : i64, tpu.core_type = #tpu.core_type<tc>, window_params = [{transform_indices = @transform_0, window_bounds = array<i64: 1000, 1>}, {transform_indices = @transform_1, window_bounds = array<i64: 1000, 1>}, {transform_indices = @transform_2, window_bounds = array<i64: 1000, 1>}, {pipeline_mode = #tpu.pipeline_mode<synchronous>, transform_indices = @transform_3, window_bounds = array<i64: 1, 128>}, {pipeline_mode = #tpu.pipeline_mode<synchronous>, transform_indices = @transform_4, window_bounds = array<i64: 128, 128>}, {pipeline_mode = #tpu.pipeline_mode<synchronous>, transform_indices = @transform_5, window_bounds = array<i64: 1, 128>}, {transform_indices = @transform_6, window_bounds = array<i64: 1000, 128>}, {transform_indices = @transform_7, window_bounds = array<i64: 1000, 128>}, {transform_indices = @transform_8, window_bounds = array<i64: 1000, 128>}]} {
    %get3A = arith.constant 0 : index
    %get3A_0 = arith.constant 0 : index
    %get3A_1 = vector.load %arg1[%get3A, %get3A_0] : memref<1000x1xi32, #tpu.memory_space<vmem>>, vector<1000x1xi32>
    %ne3A = arith.constant 0 : i32
    %ne3A_2 = vector.broadcast %ne3A : i32 to vector<1000x1xi32>
    %ne3A_3 = arith.cmpi ne, %get3A_1, %ne3A_2 : vector<1000x1xi32>
    %convert_element_type3A = arith.extui %ne3A_3 : vector<1000x1xi1> to vector<1000x1xi32>
    %convert_element_type3A_4 = arith.sitofp %convert_element_type3A : vector<1000x1xi32> to vector<1000x1xf32>
    %get3A_5 = arith.constant 0 : index
    %get3A_6 = arith.constant 0 : index
    %get3A_7 = vector.load %arg2[%get3A_5, %get3A_6] : memref<1000x1xf32, #tpu.memory_space<vmem>>, vector<1000x1xf32>
    %get3A_8 = arith.constant 0 : index
    %get3A_9 = arith.constant 0 : index
    %get3A_10 = vector.load %arg3[%get3A_8, %get3A_9] : memref<1000x1xf32, #tpu.memory_space<vmem>>, vector<1000x1xf32>
    %add3A = arith.addf %get3A_7, %get3A_10 : vector<1000x1xf32>
    %get3A_11 = arith.constant 0 : index
    %get3A_12 = arith.constant 0 : index
    %get3A_13 = vector.load %arg6[%get3A_11, %get3A_12] : memref<1x128xf32, #tpu.memory_space<vmem>>, vector<1x128xf32>
    %ge3A = arith.constant 0.000000e+00 : f32
    %ge3A_14 = vector.broadcast %ge3A : f32 to vector<1x128xf32>
    %ge3A_15 = arith.cmpf oge, %get3A_13, %ge3A_14 : vector<1x128xf32>
    %mul3A = arith.constant 0.00999999977 : f32
    %mul3A_16 = vector.broadcast %mul3A : f32 to vector<1x128xf32>
    %mul3A_17 = arith.mulf %mul3A_16, %get3A_13 : vector<1x128xf32>
    %select_n3A = arith.select %ge3A_15, %get3A_13, %mul3A_17 : vector<1x128xi1>, vector<1x128xf32>
    %mul3A_18 = vector.broadcast %add3A : vector<1000x1xf32> to vector<1000x128xf32>
    %mul3A_19 = vector.broadcast %select_n3A : vector<1x128xf32> to vector<1000x128xf32>
    %mul3A_20 = arith.mulf %mul3A_18, %mul3A_19 : vector<1000x128xf32>
    %get3A_21 = arith.constant 0 : index
    %get3A_22 = arith.constant 0 : index
    %get3A_23 = vector.load %arg5[%get3A_21, %get3A_22] : memref<128x128xf32, #tpu.memory_space<vmem>>, vector<128x128xf32>
    %dot_general3A = arith.constant dense<0.000000e+00> : vector<1000x128xf32>
    %dot_general3A_24 = tpu.matmul %mul3A_20, %get3A_23, %dot_general3A {dimension_numbers = #tpu.dot_dimension_numbers<[1], [1], [0], [0], [0, 0, 1, 0], [], []>, transpose_lhs_hint = false} : vector<1000x128xf32>, vector<128x128xf32>, vector<1000x128xf32> -> vector<1000x128xf32>
    %get3A_25 = arith.constant 0 : index
    %get3A_26 = arith.constant 0 : index
    %get3A_27 = vector.load %arg4[%get3A_25, %get3A_26] : memref<1x128xf32, #tpu.memory_space<vmem>>, vector<1x128xf32>
    %mul3A_28 = vector.broadcast %convert_element_type3A_4 : vector<1000x1xf32> to vector<1000x128xf32>
    %mul3A_29 = vector.broadcast %get3A_27 : vector<1x128xf32> to vector<1000x128xf32>
    %mul3A_30 = arith.mulf %mul3A_28, %mul3A_29 : vector<1000x128xf32>
    %swap3A = arith.constant 0 : index
    %swap3A_31 = arith.constant 0 : index
    %swap3A_32 = vector.load %arg7[%swap3A, %swap3A_31] : memref<1000x128xf32, #tpu.memory_space<vmem>>, vector<1000x128xf32>
    tpu.vector_store %arg7[%swap3A, %swap3A_31], %mul3A_30 {strides = array<i32>} : memref<1000x128xf32, #tpu.memory_space<vmem>>, vector<1000x128xf32>,
    %swap3A_33 = arith.constant 0 : index
    %swap3A_34 = arith.constant 0 : index
    %swap3A_35 = vector.load %arg8[%swap3A_33, %swap3A_34] : memref<1000x128xf32, #tpu.memory_space<vmem>>, vector<1000x128xf32>
    tpu.vector_store %arg8[%swap3A_33, %swap3A_34], %dot_general3A_24 {strides = array<i32>} : memref<1000x128xf32, #tpu.memory_space<vmem>>, vector<1000x128xf32>,
    %add3A_36 = arith.addf %mul3A_30, %dot_general3A_24 : vector<1000x128xf32>
    %ge3A_37 = arith.constant 0.000000e+00 : f32
    %ge3A_38 = vector.broadcast %ge3A_37 : f32 to vector<1000x128xf32>
    %ge3A_39 = arith.cmpf oge, %add3A_36, %ge3A_38 : vector<1000x128xf32>
    %mul3A_40 = arith.constant 0.00999999977 : f32
    %mul3A_41 = vector.broadcast %mul3A_40 : f32 to vector<1000x128xf32>
    %mul3A_42 = arith.mulf %mul3A_41, %add3A_36 : vector<1000x128xf32>
    %select_n3A_43 = arith.select %ge3A_39, %add3A_36, %mul3A_42 : vector<1000x128xi1>, vector<1000x128xf32>
    %swap3A_44 = arith.constant 0 : index
    %swap3A_45 = arith.constant 0 : index
    %swap3A_46 = vector.load %arg9[%swap3A_44, %swap3A_45] : memref<1000x128xf32, #tpu.memory_space<vmem>>, vector<1000x128xf32>
    tpu.vector_store %arg9[%swap3A_44, %swap3A_45], %select_n3A_43 {strides = array<i32>} : memref<1000x128xf32, #tpu.memory_space<vmem>>, vector<1000x128xf32>,
    return
  }
  func.func @transform_0(%arg0: i32) -> (i32, i32) {
    %c0_i32 = arith.constant 0 : i32
    %c0_i32_0 = arith.constant 0 : i32
    return %arg0, %c0_i32 : i32, i32
  }
  func.func @transform_1(%arg0: i32) -> (i32, i32) {
    %c0_i32 = arith.constant 0 : i32
    %c0_i32_0 = arith.constant 0 : i32
    return %arg0, %c0_i32 : i32, i32
  }
  func.func @transform_2(%arg0: i32) -> (i32, i32) {
    %c0_i32 = arith.constant 0 : i32
    %c0_i32_0 = arith.constant 0 : i32
    return %arg0, %c0_i32 : i32, i32
  }
  func.func @transform_3(%arg0: i32) -> (i32, i32) {
    %c0_i32 = arith.constant 0 : i32
    %c0_i32_0 = arith.constant 0 : i32
    %c0_i32_1 = arith.constant 0 : i32
    return %c0_i32, %c0_i32_0 : i32, i32
  }
  func.func @transform_4(%arg0: i32) -> (i32, i32) {
    %c0_i32 = arith.constant 0 : i32
    %c0_i32_0 = arith.constant 0 : i32
    %c0_i32_1 = arith.constant 0 : i32
    return %c0_i32, %c0_i32_0 : i32, i32
  }
  func.func @transform_5(%arg0: i32) -> (i32, i32) {
    %c0_i32 = arith.constant 0 : i32
    %c0_i32_0 = arith.constant 0 : i32
    %c0_i32_1 = arith.constant 0 : i32
    return %c0_i32, %c0_i32_0 : i32, i32
  }
  func.func @transform_6(%arg0: i32) -> (i32, i32) {
    %c0_i32 = arith.constant 0 : i32
    %c0_i32_0 = arith.constant 0 : i32
    return %arg0, %c0_i32 : i32, i32
  }
  func.func @transform_7(%arg0: i32) -> (i32, i32) {
    %c0_i32 = arith.constant 0 : i32
    %c0_i32_0 = arith.constant 0 : i32
    return %arg0, %c0_i32 : i32, i32
  }
  func.func @transform_8(%arg0: i32) -> (i32, i32) {
    %c0_i32 = arith.constant 0 : i32
    %c0_i32_0 = arith.constant 0 : i32
    return %arg0, %c0_i32 : i32, i32
  }
}

module attributes {stable_mosaic.version = 14 : i64} {
  func.func @_k2_body(%arg0: i32, %arg1: memref<1000x128xf32, #tpu.memory_space<vmem>>, %arg2: memref<1000x128xf32, #tpu.memory_space<vmem>>, %arg3: memref<1000x128xf32, #tpu.memory_space<vmem>>, %arg4: memref<1000x128xf32, #tpu.memory_space<vmem>>, %arg5: memref<128x128xf32, #tpu.memory_space<vmem>>, %arg6: memref<1000x128xf32, #tpu.memory_space<vmem>>) attributes {dimension_semantics = [#tpu.dimension_semantics<arbitrary>], iteration_bounds = array<i64: 10>, scalar_prefetch = 0 : i64, scratch_operands = 0 : i64, tpu.core_type = #tpu.core_type<tc>, window_params = [{transform_indices = @transform_0, window_bounds = array<i64: 1000, 128>}, {transform_indices = @transform_1, window_bounds = array<i64: 1000, 128>}, {transform_indices = @transform_2, window_bounds = array<i64: 1000, 128>}, {transform_indices = @transform_3, window_bounds = array<i64: 1000, 128>}, {pipeline_mode = #tpu.pipeline_mode<synchronous>, transform_indices = @transform_4, window_bounds = array<i64: 128, 128>}, {transform_indices = @transform_5, window_bounds = array<i64: 1000, 128>}]} {
    %get3A = arith.constant 0 : index
    %get3A_0 = arith.constant 0 : index
    %get3A_1 = vector.load %arg3[%get3A, %get3A_0] : memref<1000x128xf32, #tpu.memory_space<vmem>>, vector<1000x128xf32>
    %get3A_2 = arith.constant 0 : index
    %get3A_3 = arith.constant 0 : index
    %get3A_4 = vector.load %arg4[%get3A_2, %get3A_3] : memref<1000x128xf32, #tpu.memory_space<vmem>>, vector<1000x128xf32>
    %add3A = arith.addf %get3A_1, %get3A_4 : vector<1000x128xf32>
    %get3A_5 = arith.constant 0 : index
    %get3A_6 = arith.constant 0 : index
    %get3A_7 = vector.load %arg5[%get3A_5, %get3A_6] : memref<128x128xf32, #tpu.memory_space<vmem>>, vector<128x128xf32>
    %dot_general3A = arith.constant dense<0.000000e+00> : vector<1000x128xf32>
    %dot_general3A_8 = tpu.matmul %add3A, %get3A_7, %dot_general3A {dimension_numbers = #tpu.dot_dimension_numbers<[1], [1], [0], [0], [0, 0, 1, 0], [], []>, transpose_lhs_hint = false} : vector<1000x128xf32>, vector<128x128xf32>, vector<1000x128xf32> -> vector<1000x128xf32>
    %get3A_9 = arith.constant 0 : index
    %get3A_10 = arith.constant 0 : index
    %get3A_11 = vector.load %arg1[%get3A_9, %get3A_10] : memref<1000x128xf32, #tpu.memory_space<vmem>>, vector<1000x128xf32>
    %add3A_12 = arith.addf %get3A_11, %dot_general3A_8 : vector<1000x128xf32>
    %get3A_13 = arith.constant 0 : index
    %get3A_14 = arith.constant 0 : index
    %get3A_15 = vector.load %arg2[%get3A_13, %get3A_14] : memref<1000x128xf32, #tpu.memory_space<vmem>>, vector<1000x128xf32>
    %add3A_16 = arith.addf %add3A_12, %get3A_15 : vector<1000x128xf32>
    %ge3A = arith.constant 0.000000e+00 : f32
    %ge3A_17 = vector.broadcast %ge3A : f32 to vector<1000x128xf32>
    %ge3A_18 = arith.cmpf oge, %add3A_16, %ge3A_17 : vector<1000x128xf32>
    %mul3A = arith.constant 0.00999999977 : f32
    %mul3A_19 = vector.broadcast %mul3A : f32 to vector<1000x128xf32>
    %mul3A_20 = arith.mulf %mul3A_19, %add3A_16 : vector<1000x128xf32>
    %select_n3A = arith.select %ge3A_18, %add3A_16, %mul3A_20 : vector<1000x128xi1>, vector<1000x128xf32>
    %swap3A = arith.constant 0 : index
    %swap3A_21 = arith.constant 0 : index
    %swap3A_22 = vector.load %arg6[%swap3A, %swap3A_21] : memref<1000x128xf32, #tpu.memory_space<vmem>>, vector<1000x128xf32>
    tpu.vector_store %arg6[%swap3A, %swap3A_21], %select_n3A {strides = array<i32>} : memref<1000x128xf32, #tpu.memory_space<vmem>>, vector<1000x128xf32>,
    return
  }
  func.func @transform_0(%arg0: i32) -> (i32, i32) {
    %c0_i32 = arith.constant 0 : i32
    %c0_i32_0 = arith.constant 0 : i32
    return %arg0, %c0_i32 : i32, i32
  }
  func.func @transform_1(%arg0: i32) -> (i32, i32) {
    %c0_i32 = arith.constant 0 : i32
    %c0_i32_0 = arith.constant 0 : i32
    return %arg0, %c0_i32 : i32, i32
  }
  func.func @transform_2(%arg0: i32) -> (i32, i32) {
    %c0_i32 = arith.constant 0 : i32
    %c0_i32_0 = arith.constant 0 : i32
    return %arg0, %c0_i32 : i32, i32
  }
  func.func @transform_3(%arg0: i32) -> (i32, i32) {
    %c0_i32 = arith.constant 0 : i32
    %c0_i32_0 = arith.constant 0 : i32
    return %arg0, %c0_i32 : i32, i32
  }
  func.func @transform_4(%arg0: i32) -> (i32, i32) {
    %c0_i32 = arith.constant 0 : i32
    %c0_i32_0 = arith.constant 0 : i32
    %c0_i32_1 = arith.constant 0 : i32
    return %c0_i32, %c0_i32_0 : i32, i32
  }
  func.func @transform_5(%arg0: i32) -> (i32, i32) {
    %c0_i32 = arith.constant 0 : i32
    %c0_i32_0 = arith.constant 0 : i32
    return %arg0, %c0_i32 : i32, i32
  }
}

module attributes {stable_mosaic.version = 14 : i64} {
  func.func @_k3_body(%arg0: i32, %arg1: memref<1000x128xf32, #tpu.memory_space<vmem>>, %arg2: memref<1000x128xf32, #tpu.memory_space<vmem>>, %arg3: memref<1000x128xf32, #tpu.memory_space<vmem>>, %arg4: memref<1000x128xf32, #tpu.memory_space<vmem>>, %arg5: memref<128x128xf32, #tpu.memory_space<vmem>>, %arg6: memref<128x128xf32, #tpu.memory_space<vmem>>, %arg7: memref<1000x128xf32, #tpu.memory_space<vmem>>, %arg8: memref<1000x128xf32, #tpu.memory_space<vmem>>) attributes {dimension_semantics = [#tpu.dimension_semantics<arbitrary>], iteration_bounds = array<i64: 10>, scalar_prefetch = 0 : i64, scratch_operands = 0 : i64, tpu.core_type = #tpu.core_type<tc>, window_params = [{transform_indices = @transform_0, window_bounds = array<i64: 1000, 128>}, {transform_indices = @transform_1, window_bounds = array<i64: 1000, 128>}, {transform_indices = @transform_2, window_bounds = array<i64: 1000, 128>}, {transform_indices = @transform_3, window_bounds = array<i64: 1000, 128>}, {pipeline_mode = #tpu.pipeline_mode<synchronous>, transform_indices = @transform_4, window_bounds = array<i64: 128, 128>}, {pipeline_mode = #tpu.pipeline_mode<synchronous>, transform_indices = @transform_5, window_bounds = array<i64: 128, 128>}, {transform_indices = @transform_6, window_bounds = array<i64: 1000, 128>}, {transform_indices = @transform_7, window_bounds = array<i64: 1000, 128>}]} {
    %get3A = arith.constant 0 : index
    %get3A_0 = arith.constant 0 : index
    %get3A_1 = vector.load %arg3[%get3A, %get3A_0] : memref<1000x128xf32, #tpu.memory_space<vmem>>, vector<1000x128xf32>
    %get3A_2 = arith.constant 0 : index
    %get3A_3 = arith.constant 0 : index
    %get3A_4 = vector.load %arg4[%get3A_2, %get3A_3] : memref<1000x128xf32, #tpu.memory_space<vmem>>, vector<1000x128xf32>
    %add3A = arith.addf %get3A_1, %get3A_4 : vector<1000x128xf32>
    %get3A_5 = arith.constant 0 : index
    %get3A_6 = arith.constant 0 : index
    %get3A_7 = vector.load %arg5[%get3A_5, %get3A_6] : memref<128x128xf32, #tpu.memory_space<vmem>>, vector<128x128xf32>
    %dot_general3A = arith.constant dense<0.000000e+00> : vector<1000x128xf32>
    %dot_general3A_8 = tpu.matmul %add3A, %get3A_7, %dot_general3A {dimension_numbers = #tpu.dot_dimension_numbers<[1], [1], [0], [0], [0, 0, 1, 0], [], []>, transpose_lhs_hint = false} : vector<1000x128xf32>, vector<128x128xf32>, vector<1000x128xf32> -> vector<1000x128xf32>
    %get3A_9 = arith.constant 0 : index
    %get3A_10 = arith.constant 0 : index
    %get3A_11 = vector.load %arg1[%get3A_9, %get3A_10] : memref<1000x128xf32, #tpu.memory_space<vmem>>, vector<1000x128xf32>
    %add3A_12 = arith.addf %get3A_11, %dot_general3A_8 : vector<1000x128xf32>
    %get3A_13 = arith.constant 0 : index
    %get3A_14 = arith.constant 0 : index
    %get3A_15 = vector.load %arg2[%get3A_13, %get3A_14] : memref<1000x128xf32, #tpu.memory_space<vmem>>, vector<1000x128xf32>
    %add3A_16 = arith.addf %add3A_12, %get3A_15 : vector<1000x128xf32>
    %ge3A = arith.constant 0.000000e+00 : f32
    %ge3A_17 = vector.broadcast %ge3A : f32 to vector<1000x128xf32>
    %ge3A_18 = arith.cmpf oge, %add3A_16, %ge3A_17 : vector<1000x128xf32>
    %mul3A = arith.constant 0.00999999977 : f32
    %mul3A_19 = vector.broadcast %mul3A : f32 to vector<1000x128xf32>
    %mul3A_20 = arith.mulf %mul3A_19, %add3A_16 : vector<1000x128xf32>
    %select_n3A = arith.select %ge3A_18, %add3A_16, %mul3A_20 : vector<1000x128xi1>, vector<1000x128xf32>
    %swap3A = arith.constant 0 : index
    %swap3A_21 = arith.constant 0 : index
    %swap3A_22 = vector.load %arg7[%swap3A, %swap3A_21] : memref<1000x128xf32, #tpu.memory_space<vmem>>, vector<1000x128xf32>
    tpu.vector_store %arg7[%swap3A, %swap3A_21], %select_n3A {strides = array<i32>} : memref<1000x128xf32, #tpu.memory_space<vmem>>, vector<1000x128xf32>,
    %get3A_23 = arith.constant 0 : index
    %get3A_24 = arith.constant 0 : index
    %get3A_25 = vector.load %arg6[%get3A_23, %get3A_24] : memref<128x128xf32, #tpu.memory_space<vmem>>, vector<128x128xf32>
    %dot_general3A_26 = arith.constant dense<0.000000e+00> : vector<1000x128xf32>
    %dot_general3A_27 = tpu.matmul %select_n3A, %get3A_25, %dot_general3A_26 {dimension_numbers = #tpu.dot_dimension_numbers<[1], [1], [0], [0], [0, 0, 1, 0], [], []>, transpose_lhs_hint = false} : vector<1000x128xf32>, vector<128x128xf32>, vector<1000x128xf32> -> vector<1000x128xf32>
    %swap3A_28 = arith.constant 0 : index
    %swap3A_29 = arith.constant 0 : index
    %swap3A_30 = vector.load %arg8[%swap3A_28, %swap3A_29] : memref<1000x128xf32, #tpu.memory_space<vmem>>, vector<1000x128xf32>
    tpu.vector_store %arg8[%swap3A_28, %swap3A_29], %dot_general3A_27 {strides = array<i32>} : memref<1000x128xf32, #tpu.memory_space<vmem>>, vector<1000x128xf32>,
    return
  }
  func.func @transform_0(%arg0: i32) -> (i32, i32) {
    %c0_i32 = arith.constant 0 : i32
    %c0_i32_0 = arith.constant 0 : i32
    return %arg0, %c0_i32 : i32, i32
  }
  func.func @transform_1(%arg0: i32) -> (i32, i32) {
    %c0_i32 = arith.constant 0 : i32
    %c0_i32_0 = arith.constant 0 : i32
    return %arg0, %c0_i32 : i32, i32
  }
  func.func @transform_2(%arg0: i32) -> (i32, i32) {
    %c0_i32 = arith.constant 0 : i32
    %c0_i32_0 = arith.constant 0 : i32
    return %arg0, %c0_i32 : i32, i32
  }
  func.func @transform_3(%arg0: i32) -> (i32, i32) {
    %c0_i32 = arith.constant 0 : i32
    %c0_i32_0 = arith.constant 0 : i32
    return %arg0, %c0_i32 : i32, i32
  }
  func.func @transform_4(%arg0: i32) -> (i32, i32) {
    %c0_i32 = arith.constant 0 : i32
    %c0_i32_0 = arith.constant 0 : i32
    %c0_i32_1 = arith.constant 0 : i32
    return %c0_i32, %c0_i32_0 : i32, i32
  }
  func.func @transform_5(%arg0: i32) -> (i32, i32) {
    %c0_i32 = arith.constant 0 : i32
    %c0_i32_0 = arith.constant 0 : i32
    %c0_i32_1 = arith.constant 0 : i32
    return %c0_i32, %c0_i32_0 : i32, i32
  }
  func.func @transform_6(%arg0: i32) -> (i32, i32) {
    %c0_i32 = arith.constant 0 : i32
    %c0_i32_0 = arith.constant 0 : i32
    return %arg0, %c0_i32 : i32, i32
  }
  func.func @transform_7(%arg0: i32) -> (i32, i32) {
    %c0_i32 = arith.constant 0 : i32
    %c0_i32_0 = arith.constant 0 : i32
    return %arg0, %c0_i32 : i32, i32
  }
}

</mosaic_0001>

<sc_bundles>
// kernel: kernel.11.cloned.1.call-start
scs
__scs_entry_jumppad:
0x0: {  	(pc) =	sbr.rel $0x88, $3  }
0x1: {  	(tag) =	ssettag $0x0;
	lr =	simm.s32 $0x1  }
0x2: {  	[smem:$0x3F97] =	sst lr;
	_ =	strace $0xD0000000  }
0x3: {  	_ = 	snop  }
0x4: {  	_ = 	snop  }
0x5: {  	_ = 	snop  }
0x6: {  	_ = 	snop  }
0x7: {  	_ = 	snop  }
__scs_overlays_trampoline_lowered:
0x8: {  	[smem:$0x3FA6] =	sst s0  }
0x9: {  	[smem:$0x3FA7] =	sst s1  }
0xa: {  	[smem:$0x3FA8] =	sst s2  }
0xb: {  	[smem:$0x3FA9] =	sst s3  }
0xc: {  	[smem:$0x3FAA] =	sst s4  }
0xd: {  	[smem:$0x3FAB] =	sst s5  }
0xe: {  	[smem:$0x3FAC] =	sst s6  }
0xf: {  	[smem:$0x3FAD] =	sst s7  }
0x10: {  	[smem:$0x3FAE] =	sst s8  }
0x11: {  	[smem:$0x3FAF] =	sst s9;
	s0 =	simm.s32 @!p0 $0x0  }
0x12: {  	s1 =	sld [smem:$0x3F95];
	s0 =	simm.s32 @p0 $0x1  }
0x13: {  	[smem:$0x3FB0] =	sst s0;
	s0 =	simm.s32 @!p1 $0x0  }
0x14: {  	s2 =	sld [smem:$0x3F94];
	s0 =	simm.s32 @p1 $0x1  }
0x15: {  	[smem:$0x3FB1] =	sst s0;
	s0 =	simm.s32 @!p2 $0x0  }
0x16: {  	s3 =	sld [smem:$0x3FDB];
	s0 =	simm.s32 @p2 $0x1  }
0x17: {  	s4 =	simm.s32 $0x1BF5;
	[smem:$0x3FB3] =	sst s0  }
0x18: {  	s0 =	sld [smem:$0x3F96];
	_ =	swait.ge [sflag:s4], $0x0  }
0x19: {  	s7 =	sld [smem:$0x3F97]  }
0x1a: {  	s8 =	sadd.s32 $0xFFFFE003, lr  }
0x1b: {  	s9 =	sadd.s32 $0xFFFFFEF7, lr;
	s5 =	simm.s32 $0xFFFFFFFF;
	p2 =	slt.u32 s8, $0xFFFFF086  }
0x1c: {  	p1 =	slt.u32 s9, $0xF7A;
	s5 =	simm.s32 @!p2 $0x0  }
0x1d: {  	s5 =	simm.s32 @p1 $0x1;
	p0 =	seq.s32 s7, s2  }
0x1e: {  	s7 =	smul.u32 @!p0 $0xF7A, s2;
	p2 =	seq.s32 @!p0 s5, $0x0  }
0x1f: {  	s9 =	smul.u32 $0xF7A, s1;
	s8 =	simm.s32 @!p0 $0x1BF5;
	p2 =	por !p2, p0  }
0x20: {  	[sflag:s8] =	ssyncset.s32 @!p0 $0xFFFFF086;
	s6 =	sadd.s32 @!p0 s3, s7;
	s7 =	simm.s32 @!p0 $0x108  }
0x21: {  	s3 =	sadd.s32 s3, s9;
	s6 =	sadd.s32 @!p0 $0x88, s6;
	s7 =	simm.s32 @p2 $0x1082  }
0x22: {  	[simem:s7], [sflag:s8] =	dma.local @!p0 [hbm:s6], $0xF7A  }
0x23: {  	s9 =	sor.u32 $0xD0000000, s2;
	s6 =	simm.s32 $0x108;
	_ =	swait.ge @!p0 [sflag:s8], $0x0  }
0x24: {  	s3 =	sadd.s32 $0x88, s3;
	s6 =	simm.s32 @!p1 $0x1082;
	[sflag:s4] =	ssyncset.s32 $0xFFFFF086  }
0x25: {  	[simem:s6], [sflag:s4] =	dma.local [hbm:s3], $0xF7A  }
0x26: {  	[smem:$0x3F97] =	sst s1;
	(tag) =	ssettag s2;
	_ =	strace s9  }
0x27: {  	s1 =	sld [smem:$0x3FA7]  }
0x28: {  	s2 =	sld [smem:$0x3FA8]  }
0x29: {  	s4 =	sld [smem:$0x3FAA]  }
0x2a: {  	p0 =	seq.s32 s5, $0x0;
	s5 =	sld [smem:$0x3FAB]  }
0x2b: {  	s6 =	sld [smem:$0x3FAC]  }
0x2c: {  	s7 =	sld [smem:$0x3FAD]  }
0x2d: {  	s3 =	simm.s32 $0x108;
	s8 =	sld [smem:$0x3FAE]  }
0x2e: {  	s3 =	simm.s32 @!p0 $0x1082;
	s9 =	sld [smem:$0x3FAF]  }
0x2f: {  	lr =	sadd.s32 s0, s3;
	s0 =	sld [smem:$0x3FA6]  }
0x30: {  	s3 =	sld [smem:$0x3FA9]  }
0x31: {  	[smem:$0x3FB2] =	sst s10  }
0x32: {  	s10 =	sld [smem:$0x3FB0];
	_ =	sdelay $0x3  }
0x33: {  	p0 =	seq.s32 s10, $0x1;
	s10 =	sld [smem:$0x3FB2];
	_ =	sdelay $0x3  }
0x34: {  	[smem:$0x3FB2] =	sst s10  }
0x35: {  	s10 =	sld [smem:$0x3FB1];
	_ =	sdelay $0x3  }
0x36: {  	p1 =	seq.s32 s10, $0x1;
	s10 =	sld [smem:$0x3FB2];
	_ =	sdelay $0x3  }
0x37: {  	[smem:$0x3FB2] =	sst s10  }
0x38: {  	s10 =	sld [smem:$0x3FB3]  }
0x39: {  	_ = 	snop;
	(pc) =	sbr.ind lr, $3  }
0x3a: {  	_ = 	snop  }
0x3b: {  	_ = 	snop  }
0x3c: {  	p2 =	seq.s32 s10, $0x1;
	s10 =	sld [smem:$0x3FB2]  }
0x3d: {  	_ =	shalt  }
0x3e: {  	_ =	shalt  }
0x3f: {  	_ =	shalt  }
0x40: {  	_ =	shalt  }
0x41: {  	_ =	shalt  }
0x42: {  	_ =	shalt  }
0x43: {  	_ =	shalt  }
0x44: {  	_ =	shalt  }
0x45: {  	_ =	shalt  }
0x46: {  	_ =	shalt  }
0x47: {  	_ =	shalt  }
0x48: {  	_ =	shalt  }
0x49: {  	_ =	shalt  }
0x4a: {  	_ =	shalt  }
0x4b: {  	_ =	shalt  }
0x4c: {  	_ =	shalt  }
0x4d: {  	_ =	shalt  }
0x4e: {  	_ =	shalt  }
0x4f: {  	_ =	shalt  }
0x50: {  	_ =	shalt  }
0x51: {  	_ =	shalt  }
0x52: {  	_ =	shalt  }
0x53: {  	_ =	shalt  }
0x54: {  	_ =	shalt  }
0x55: {  	_ =	shalt  }
0x56: {  	_ =	shalt  }
0x57: {  	_ =	shalt  }
0x58: {  	_ =	shalt  }
0x59: {  	_ =	shalt  }
0x5a: {  	_ =	shalt  }
0x5b: {  	_ =	shalt  }
0x5c: {  	_ =	shalt  }
0x5d: {  	_ =	shalt  }
0x5e: {  	_ =	shalt  }
0x5f: {  	_ =	shalt  }
0x60: {  	_ =	shalt  }
0x61: {  	_ =	shalt  }
0x62: {  	_ =	shalt  }
0x63: {  	_ =	shalt  }
0x64: {  	_ =	shalt  }
0x65: {  	_ =	shalt  }
0x66: {  	_ =	shalt  }
0x67: {  	_ =	shalt  }
0x68: {  	_ =	shalt  }
0x69: {  	_ =	shalt  }
0x6a: {  	_ =	shalt  }
0x6b: {  	_ =	shalt  }
0x6c: {  	_ =	shalt  }
0x6d: {  	_ =	shalt  }
0x6e: {  	_ =	shalt  }
0x6f: {  	_ =	shalt  }
0x70: {  	_ =	shalt  }
0x71: {  	_ =	shalt  }
0x72: {  	_ =	shalt  }
0x73: {  	_ =	shalt  }
0x74: {  	_ =	shalt  }
0x75: {  	_ =	shalt  }
0x76: {  	_ =	shalt  }
0x77: {  	_ =	shalt  }
0x78: {  	_ =	shalt  }
0x79: {  	_ =	shalt  }
0x7a: {  	_ =	shalt  }
0x7b: {  	_ =	shalt  }
0x7c: {  	_ =	shalt  }
0x7d: {  	_ =	shalt  }
0x7e: {  	_ =	shalt  }
0x7f: {  	_ =	shalt  }
0x80: {  	_ =	shalt  }
0x81: {  	_ =	shalt  }
0x82: {  	_ =	shalt  }
0x83: {  	_ =	shalt  }
0x84: {  	_ =	shalt  }
0x85: {  	_ =	shalt  }
0x86: {  	_ =	shalt  }
0x87: {  	_ =	shalt  }
.Lfunc_end0:
.L_simem_size_0:
called_computation.1_lowered:
.L_overlay_start_0:
0x88: {  	s2 =	sld [smem:$0x3FD9]  }
0x89: {  	s3 =	sld [smem:$0x3FFE];
	_ =	sdelay $0x1  }
0x8a: {  	s1 =	srdreg.scid  }
0x8b: {  	s0 =	sand.u32 $0x1, s1  }
0x8c: {  	s14 =	sshll.u32 s0, $0xA;
	s2 =	sadd.s32 s3, s2  }
0x8d: {  	s2 =	sadd.s32 s2, s14  }
0x8e: {  	[smem:$0x3FBE] =	sst s2  }
0x8f: {  	_ = 	snop  }
0x90: {  	s2 =	sld [smem:$0x3FD0];
	_ =	sdelay $0x2  }
0x91: {  	s15 =	simm.s32 $0xA;
	s4 =	simm.s32 $0x10  }
0x92: {  	[smem:s4], [sflag:s15] =	dma.local [hbm:s2], $0x1  }
0x93: {  	_ =	swait.eq [sflag:s15], $0x1  }
0x94: {  	[sflag:s15] =	ssyncset.done $0x0  }
0x95: {  	[sflag:s15] =	ssyncadd.s32 $0xFFFFFFFF  }
0x96: {  	s16 =	sld [smem:$0x11];
	(tm) =	ssettm $0x1  }
0x97: {  	s17 =	sld [smem:$0x3FFB];
	_ =	sdelay $0x3  }
0x98: {  	_ =	strace s17  }
0x99: {  	s3 =	sld [smem:$0x3FFC];
	_ =	sdelay $0x3  }
0x9a: {  	_ =	strace s3  }
0x9b: {  	s3 =	sld [smem:$0x3FFD];
	_ =	sdelay $0x3  }
0x9c: {  	_ =	strace s3  }
0x9d: {  	_ =	strace $0x8FFFFFFF  }
0x9e: {  	s18 =	sld [smem:$0x3FDB];
	_ =	sdelay $0x1  }
0x9f: {  	s19 =	simm.s32 $_scs_section_size  }
0xa0: {  	s5 =	simm.s32 $_size__tile_overlayer_lowered;
	s6 =	simm.s32 $_tile_overlayer_lowered  }
0xa1: {  	s22 =	simm.s32 $0x1BFF;
	s21 =	sshll.u32 s6, $0x1;
	s3 =	sadd.s32 s19, s18  }
0xa2: {  	s7 =	simm.s32 $0x0;
	s20 =	sshll.u32 s5, $0x1;
	s5 =	sadd.s32 s21, s3  }
0xa3: {  	[timem:s7], [sflag:s22] =	dma.local [hbm:s5], s20  }
0xa4: {  	_ =	swait.ge [sflag:s22], s20  }
0xa5: {  	s4 =	ssub.s32 $0x0, s20;
	[sflag:s22] =	ssyncset.done $0x0  }
0xa6: {  	[sflag:s22] =	ssyncadd.s32 s4;
	_ =	sdelay $0x1  }
0xa7: {  	s23 =	simm.s32 $0x1B8B  }
0xa8: {  	_ =	swait.ge [sflag:s23], $0x1  }
0xa9: {  	[sflag:s23] =	ssyncset.done $0x0  }
0xaa: {  	s25 =	simm.s32 $0x1B8E;
	s24 =	sld [smem:$0x3FFE];
	[sflag:s23] =	ssyncadd.s32 $0xFFFFFFFF  }
0xab: {  	s26 =	simm.s32 $execute0_lowered;
	[smem:$0x3FD2] =	sst s25  }
0xac: {  	s5 =	sshll.u32 s26, $0x1;
	_ =	strace $0x80000049;
	[dreg:$0x1] =	wrdreg $0xFFFFFFFF  }
0xad: {  	s28 =	simm.s32 $_size_execute0_lowered;
	s3 =	sadd.s32 s3, s5;
	[dreg:$0x0] =	wrdreg $0x0  }
0xae: {  	s5 =	sshll.u32 s28, $0x1;
	[dreg:$0x2] =	wrdreg s3  }
0xaf: {  	[dreg:$0x3] =	wrdreg s5  }
0xb0: {  	[dreg:$0x4] =	wrdreg $0xC0  }
0xb1: {  	_ =	task [dreg:s7], $0x5FFFF  }
0xb2: {  	[dreg:$0x1] =	wrdreg $0xFFFFFFFF  }
0xb3: {  	[dreg:$0x0] =	wrdreg $0x60  }
0xb4: {  	[dreg:$0x2] =	wrdreg s16  }
0xb5: {  	[dreg:$0x3] =	wrdreg s24  }
0xb6: {  	[dreg:$0x4] =	wrdreg $0x41000  }
0xb7: {  	[dreg:$0x5] =	wrdreg $0x9  }
0xb8: {  	_ =	task.clear_ibuf [dreg:s7], $0x6FFFF;
	_ =	strace $0x90000049  }
0xb9: {  	s29 =	simm.s32 $0x9;
	_ =	strace $0x8000004B  }
0xba: {  	_ =	swait.ge [sflag:s29], $0x1  }
0xbb: {  	[sflag:s29] =	ssyncadd.s32 $0xFFFFFFFF  }
0xbc: {  	_ =	strace $0x9000004B  }
0xbd: {  	_ =	sfence  }
0xbe: {  	s30 =	sld [smem:$0x0];
	_ =	sdelay $0x2  }
0xbf: {  	s31 =	sshll.u32 s1, $0xD;
	s1 =	sshrl.u32 s1, $0x2  }
0xc0: {  	s3 =	sand.u32 $0x4000, s31;
	s1 =	sadd.s32 s1, s30  }
0xc1: {  	s0 =	sor.u32 s3, s0;
	s1 =	sshll.u32 s1, $0x11  }
0xc2: {  	s0 =	sor.u32 s1, s0  }
0xc3: {  	s0 =	sadd.s32 $0x8F2B, s0  }
0xc4: {  	[sflag:s0] =	ssyncadd.remote.s32 $0x1  }
0xc5: {  	_ =	sfence.sel $0xFFFF  }
0xc6: {  	[dreg:$0x0] =	wrdreg $0xFFFFFFFF;
	(pc) =	sbr.abs _section_cstart, $3  }
0xc7: {  	[dreg:$0x1] =	wrdreg $0xFFFFFFFF  }
0xc8: {  	_ =	task.clear_ibuf [dreg:s7], $0x2FFFF;
	_ =	strace $0x9FFFFFFF  }
0xc9: {  	(tm) =	ssettm $0x7FFFFFFF  }
tec
execute0_lowered:
.L_overlay_start_1:
0x0: {  	(tag) =	ssettag $0x1  }
0x1: {  	s2 =	rddreg [dreg:$0x0]  }
0x2: {  	s5 =	rddreg [dreg:$0x1]  }
0x3: {  	s3 =	rddreg [dreg:$0x2]  }
0x4: {  	s0 =	stileid.u32;
	s4 =	srdreg.scid  }
0x5: {  	s1 =	rddreg [dreg:$0x3];
	s21 =	simm.s32 $0x80;
	s6 =	smul.u32 $0x3A, s0  }
0x6: {  	s22 =	simm.s32 $0x1;
	s23 =	simm.s32 $0x0;
	s8 =	smul.u32 $0x63, s0  }
0x7: {  	s7 =	sand.u32 $0x1, s4;
	s4 =	simm.s32 $0x0;
	s26 =	smul.u32 $0x50000, s0  }
0x8: {  	s10 =	smul.u32 $0x14000, s0;
	s15 =	sadd.s32 $0x20400, s5;
	p0 =	seq.s32 s7, $0x0  }
0x9: {  	[smem:$0x7FF] =	sst s4;
	s28 =	ssub.s32 $0x2, s7;
	s14 =	smul.u32 $0x140000, s7  }
0xa: {  	s6 =	sadd.s32 $0x630, s6;
	_ =	strace $0x8000004A;
	s29 =	sshrl.u32 s28, $0x1  }
0xb: {  	s11 =	sadd.s32 $0x4000, s10;
	s13 =	sadd.s32 $0x8000, s10;
	s17 =	sadd.s32 $0xC000, s10  }
0xc: {  	s19 =	sadd.s32 $0x10000, s10;
	s6 =	smov.u32 @p0 s8;
	s8 =	sshrl.u32 s26, $0x2  }
0xd: {  	s16 =	ssub.s32 s28, s29;
	s7 =	sadd.s32 s13, s3;
	s9 =	sadd.s32 s19, s3  }
0xe: {  	s12 =	sadd.s32 s10, s14;
	s10 =	simm.s32 $0x63;
	s20 =	sadd.s32 s14, s11  }
0xf: {  	s13 =	sadd.s32 s14, s13;
	s19 =	sadd.s32 s14, s19;
	s6 =	sshll.u32 s6, $0x4  }
0x10: {  	s12 =	sshrl.u32 s12, $0x3;
	s10 =	simm.s32 @!p0 $0x3A;
	s30 =	sshrl.u32 s20, $0x3  }
0x11: {  	s13 =	sshrl.u32 s13, $0x3;
	s31 =	sshrl.u32 s19, $0x3;
	s16 =	smax.u32 s16, $0x1  }
0x12: {  	s19 =	simm.s32 $0x100;
	s20 =	simm.s32 $0x2;
	s18 =	sadd.s32 s6, s5  }
0x13: {  	s5 =	sadd.s32 s8, s3;
	s8 =	sadd.s32 s17, s3;
	s17 =	sadd.s32 s14, s17  }
0x14: {  	s6 =	sadd.s32 s11, s3;
	s11 =	sadd.s32 s15, s12;
	s17 =	sshrl.u32 s17, $0x3  }
0x15: {  	s12 =	sadd.s32 s15, s30;
	s13 =	sadd.s32 s15, s13;
	s14 =	sadd.s32 s15, s17  }
0x16: {  	v0 =	vimm.f32 $0.0e+00;
	s15 =	sadd.s32 s15, s31;
	s17 =	sadd.s32 $0xC800, s18;
	s18 =	sadd.s32 $0x16600, s18  }
.LBB2_1:
0x17: {  	s24 =	simm.s32 $0x0;
	s25 =	simm.s32 $0x200  }
.LBB2_2:
0x18: {  	p0 =	sne.s32 s25, $0xFE00;
	[tilespmem:s24+$0x170] =	vst v0  }
0x19: {  	[tilespmem:s24+$0x100] =	vst v0  }
0x1a: {  	[tilespmem:s24+$0x110] =	vst v0  }
.Ltmp0:
0x1b: {  	[tilespmem:s24+$0x120] =	vst v0;
	(pc) =	sbr.rel @p0 .LBB2_2-.Ltmp0, $4  }
0x1c: {  	[tilespmem:s24+$0x130] =	vst v0  }
0x1d: {  	[tilespmem:s24+$0x140] =	vst v0  }
0x1e: {  	[tilespmem:s24+$0x150] =	vst v0  }
0x1f: {  	[tilespmem:s24+$0x160] =	vst v0;
	s24 =	sshra.s32 s25, $0x2;
	s25 =	sadd.s32 $0x200, s25  }
0x20: {  	[tilespmem:s24+$0x170] =	vst v0  }
0x21: {  	[tilespmem:s24+$0x100] =	vst v0  }
0x22: {  	[tilespmem:s24+$0x110] =	vst v0  }
0x23: {  	[tilespmem:s24+$0x120] =	vst v0  }
0x24: {  	[tilespmem:s24+$0x130] =	vst v0  }
0x25: {  	[tilespmem:s24+$0x140] =	vst v0  }
0x26: {  	[tilespmem:s24+$0x150] =	vst v0  }
0x27: {  	[tilespmem:s24+$0x160] =	vst v0  }
0x28: {  	[spmem:s5] =	stream.linear.scatter [tilespmem:s19], [sflag:$0x2], $0x4000, $0x38;
	[tilespmem:$0x18100] =	vst v63  }
0x29: {  	_ =	swait.ge [sflag:s20], $0x4000  }
0x2a: {  	[sflag:s20] =	ssyncset.done $0x0  }
0x2b: {  	[sflag:s20] =	ssyncadd.s32 $0xFFFFC000  }
0x2c: {  	[spmem:s6] =	stream.linear.scatter [tilespmem:s19], [sflag:$0x2], $0x4000, $0x38;
	[tilespmem:$0x18100] =	vst v63  }
0x2d: {  	_ =	swait.ge [sflag:s20], $0x4000  }
0x2e: {  	[sflag:s20] =	ssyncset.done $0x0  }
0x2f: {  	[sflag:s20] =	ssyncadd.s32 $0xFFFFC000  }
0x30: {  	[spmem:s7] =	stream.linear.scatter [tilespmem:s19], [sflag:$0x2], $0x4000, $0x38;
	[tilespmem:$0x18100] =	vst v63  }
0x31: {  	_ =	swait.ge [sflag:s20], $0x4000  }
0x32: {  	[sflag:s20] =	ssyncset.done $0x0  }
0x33: {  	[sflag:s20] =	ssyncadd.s32 $0xFFFFC000  }
0x34: {  	[spmem:s8] =	stream.linear.scatter [tilespmem:s19], [sflag:$0x2], $0x4000, $0x38;
	[tilespmem:$0x18100] =	vst v63  }
0x35: {  	_ =	swait.ge [sflag:s20], $0x4000  }
0x36: {  	[sflag:s20] =	ssyncset.done $0x0  }
0x37: {  	[sflag:s20] =	ssyncadd.s32 $0xFFFFC000  }
0x38: {  	[spmem:s9] =	stream.linear.scatter [tilespmem:s19], [sflag:$0x2], $0x4000, $0x38;
	[tilespmem:$0x18100] =	vst v63  }
0x39: {  	_ =	swait.ge [sflag:s20], $0x4000  }
0x3a: {  	[sflag:s20] =	ssyncset.done $0x0  }
0x3b: {  	[sflag:s20] =	ssyncadd.s32 $0xFFFFC000  }
0x3c: {  	[bflag:$0x0] =	sbarrier.arrive $0xFFFF  }
0x3d: {  	[tilespmem:s4], [sflag:$0x2] =	stream.linear.gather [hbm4b:s18+s4], $0x80, $0x38;
	[tilespmem:$0x18100] =	vst v63  }
0x3e: {  	_ =	swait.ge [sflag:s20], $0x80  }
0x3f: {  	[sflag:s20] =	ssyncset.done $0x0  }
0x40: {  	[sflag:s20] =	ssyncadd.s32 $0xFFFFFF80  }
0x41: {  	[tilespmem:s21], [sflag:$0x2] =	stream.linear.gather [hbm4b:s17+s4], $0x80, $0x38;
	[tilespmem:$0x18100] =	vst v63  }
0x42: {  	_ =	swait.ge [sflag:s20], $0x80  }
0x43: {  	[sflag:s20] =	ssyncset.done $0x0  }
0x44: {  	[sflag:s20] =	ssyncadd.s32 $0xFFFFFF80  }
0x45: {  	[tilespmem:s19], [sflag:$0x1] =	stream.indirect.gather [hbm4b:s2+s21], $0x80, s4, s21, $0xb8;
	[tilespmem:$0x18100] =	vst v63  }
0x46: {  	p0 =	sne.s32 s10, $0x1;
	_ =	swait.ge [sflag:s22], $0x4000  }
.Ltmp1:
0x47: {  	[sflag:s22] =	ssyncset.done $0x0;
	(pc) =	sbr.rel @!p0 .LBB2_5-.Ltmp1, $4  }
0x48: {  	[sflag:s22] =	ssyncadd.s32 $0xFFFFC000  }
0x49: {  	[spmem:s3] =	stream.indirect.scatter.add.f32 [tilespmem:s19], [sflag:$0x2], $0x80, s21, s21, $0xb8;
	[tilespmem:$0x18100] =	vst v63  }
0x4a: {  	s24 =	sadd.s32 $0xFFFFFFFF, s10;
	_ =	swait.ge [sflag:s20], $0x4000  }
0x4b: {  	s25 =	smov.u32 s17;
	s26 =	smov.u32 s18;
	[sflag:s20] =	ssyncset.done $0x0  }
.LBB2_4:
0x4c: {  	[sflag:s20] =	ssyncadd.s32 $0xFFFFC000;
	s25 =	sadd.s32 $0x10, s25;
	s26 =	sadd.s32 $0x10, s26  }
0x4d: {  	[tilespmem:s4], [sflag:$0x2] =	stream.linear.gather [hbm4b:s26+s4], $0x80, $0x38;
	[tilespmem:$0x18100] =	vst v63  }
0x4e: {  	p0 =	sne.s32 s24, $0x1;
	s24 =	sadd.s32 $0xFFFFFFFF, s24;
	_ =	swait.ge [sflag:s20], $0x80  }
0x4f: {  	[sflag:s20] =	ssyncset.done $0x0  }
0x50: {  	[sflag:s20] =	ssyncadd.s32 $0xFFFFFF80  }
0x51: {  	[tilespmem:s21], [sflag:$0x2] =	stream.linear.gather [hbm4b:s25+s4], $0x80, $0x38;
	[tilespmem:$0x18100] =	vst v63  }
0x52: {  	_ =	swait.ge [sflag:s20], $0x80  }
0x53: {  	[sflag:s20] =	ssyncset.done $0x0  }
0x54: {  	[sflag:s20] =	ssyncadd.s32 $0xFFFFFF80  }
0x55: {  	[tilespmem:s19], [sflag:$0x1] =	stream.indirect.gather [hbm4b:s2+s21], $0x80, s4, s21, $0xb8;
	[tilespmem:$0x18100] =	vst v63  }
0x56: {  	_ =	swait.ge [sflag:s22], $0x4000  }
.Ltmp2:
0x57: {  	[sflag:s22] =	ssyncset.done $0x0;
	(pc) =	sbr.rel @p0 .LBB2_4-.Ltmp2, $4  }
0x58: {  	[sflag:s22] =	ssyncadd.s32 $0xFFFFC000  }
0x59: {  	[spmem:s3] =	stream.indirect.scatter.add.f32 [tilespmem:s19], [sflag:$0x2], $0x80, s21, s21, $0xb8;
	[tilespmem:$0x18100] =	vst v63  }
0x5a: {  	_ =	swait.ge [sflag:s20], $0x4000  }
0x5b: {  	[sflag:s20] =	ssyncset.done $0x0  }
.LBB2_5:
0x5c: {  	[sflag:s20] =	ssyncadd.s32 $0xFFFFC000;
	s24 =	sshll.u32 s0, $0x6  }
0x5d: {  	s25 =	sshrl.u32 s5, $0x3;
	[bflag:$0x0] =	sbarrier.arrive $0xFFFF;
	s24 =	sor.u32 $0x1C02, s24  }
0x5e: {  	[hbm:s11], [sflag:s24] =	dma.local [spmem:s25], $0x800  }
0x5f: {  	_ =	swait.ge [sflag:s20], $0x800  }
0x60: {  	[sflag:s20] =	ssyncset.done $0x0  }
0x61: {  	s28 =	sshrl.u32 s6, $0x3;
	[sflag:s20] =	ssyncadd.s32 $0xFFFFF800  }
0x62: {  	[hbm:s12], [sflag:s24] =	dma.local [spmem:s28], $0x800  }
0x63: {  	_ =	swait.ge [sflag:s20], $0x800  }
0x64: {  	[sflag:s20] =	ssyncset.done $0x0  }
0x65: {  	s29 =	sshrl.u32 s7, $0x3;
	[sflag:s20] =	ssyncadd.s32 $0xFFFFF800  }
0x66: {  	[hbm:s13], [sflag:s24] =	dma.local [spmem:s29], $0x800  }
0x67: {  	_ =	swait.ge [sflag:s20], $0x800  }
0x68: {  	[sflag:s20] =	ssyncset.done $0x0  }
0x69: {  	s30 =	sshrl.u32 s8, $0x3;
	[sflag:s20] =	ssyncadd.s32 $0xFFFFF800  }
0x6a: {  	[hbm:s14], [sflag:s24] =	dma.local [spmem:s30], $0x800  }
0x6b: {  	s23 =	sadd.s32 $0x1, s23;
	_ =	swait.ge [sflag:s20], $0x800  }
0x6c: {  	p0 =	sne.s32 s23, s16;
	[sflag:s20] =	ssyncset.done $0x0  }
.Ltmp3:
0x6d: {  	s31 =	sshrl.u32 s9, $0x3;
	[sflag:s20] =	ssyncadd.s32 $0xFFFFF800;
	(pc) =	sbr.rel @p0 .LBB2_1-.Ltmp3, $4  }
0x6e: {  	[hbm:s15], [sflag:s24] =	dma.local [spmem:s31], $0x800  }
0x6f: {  	_ =	swait.ge [sflag:s20], $0x800  }
0x70: {  	[sflag:s20] =	ssyncset.done $0x0  }
0x71: {  	[sflag:s20] =	ssyncadd.s32 $0xFFFFF800  }
0x72: {  	_ =	sfence.sel $0x180000  }
0x73: {  	[bflag:$0x0] =	sbarrier.arrive $0xFFFF  }
0x74: {  	p0 =	sne.s32 s0, $0x0;
	_ =	strace $0x9000004A  }
0x75: {  	s0 =	sadd.s32 @!p0 $0x100000, s1;
	[bflag:$0x2] =	sbarrier.arrive $0xFFFF  }
0x76: {  	[sflag:s0] =	ssyncadd.tile.s32 @!p0 $0x1;
	_ =	shalt  }
.Lfunc_end2:
_tile_overlayer_lowered:
.L_overlay_start_2:
0x77: {  	(tag) =	ssettag $0x2  }
0x78: {  	s0 =	rddreg [dreg:$0x0];
	s2 =	stileid.u32  }
0x79: {  	s1 =	rddreg [dreg:$0x1];
	p0 =	sne.s32 s2, $0x0  }
0x7a: {  	s3 =	rddreg [dreg:$0x2];
	[bflag:$0x3] =	sbarrier.arrive $0xFFFF;
	s2 =	simm.s32 @!p0 $0x1C02  }
0x7b: {  	[timem:s3], [sflag:s2] =	dma.local @!p0 [hbm:s0], s1  }
0x7c: {  	s0 =	simm.s32 @!p0 $0x2  }
0x7d: {  	_ =	swait.ge @!p0 [sflag:s0], s1  }
0x7e: {  	s1 =	ssub.s32 @!p0 $0x0, s1;
	[sflag:s0] =	ssyncset.done @!p0 $0x0  }
0x7f: {  	[sflag:s0] =	ssyncadd.s32 @!p0 s1  }
0x80: {  	[bflag:$0x3] =	sbarrier.arrive $0xFFFF  }
0x81: {  	_ =	shalt  }

// kernel: kernel.14.cloned.1.call-start
scs
__scs_entry_jumppad:
0x0: {  	(pc) =	sbr.rel $0x88, $3  }
0x1: {  	(tag) =	ssettag $0x0;
	lr =	simm.s32 $0x1  }
0x2: {  	[smem:$0x3F97] =	sst lr;
	_ =	strace $0xD0000000  }
0x3: {  	_ = 	snop  }
0x4: {  	_ = 	snop  }
0x5: {  	_ = 	snop  }
0x6: {  	_ = 	snop  }
0x7: {  	_ = 	snop  }
__scs_overlays_trampoline_lowered:
0x8: {  	[smem:$0x3FA6] =	sst s0  }
0x9: {  	[smem:$0x3FA7] =	sst s1  }
0xa: {  	[smem:$0x3FA8] =	sst s2  }
0xb: {  	[smem:$0x3FA9] =	sst s3  }
0xc: {  	[smem:$0x3FAA] =	sst s4  }
0xd: {  	[smem:$0x3FAB] =	sst s5  }
0xe: {  	[smem:$0x3FAC] =	sst s6  }
0xf: {  	[smem:$0x3FAD] =	sst s7  }
0x10: {  	[smem:$0x3FAE] =	sst s8  }
0x11: {  	[smem:$0x3FAF] =	sst s9;
	s0 =	simm.s32 @!p0 $0x0  }
0x12: {  	s1 =	sld [smem:$0x3F95];
	s0 =	simm.s32 @p0 $0x1  }
0x13: {  	[smem:$0x3FB0] =	sst s0;
	s0 =	simm.s32 @!p1 $0x0  }
0x14: {  	s2 =	sld [smem:$0x3F94];
	s0 =	simm.s32 @p1 $0x1  }
0x15: {  	[smem:$0x3FB1] =	sst s0;
	s0 =	simm.s32 @!p2 $0x0  }
0x16: {  	s3 =	sld [smem:$0x3FDB];
	s0 =	simm.s32 @p2 $0x1  }
0x17: {  	s4 =	simm.s32 $0x1BF5;
	[smem:$0x3FB3] =	sst s0  }
0x18: {  	s0 =	sld [smem:$0x3F96];
	_ =	swait.ge [sflag:s4], $0x0  }
0x19: {  	s7 =	sld [smem:$0x3F97]  }
0x1a: {  	s8 =	sadd.s32 $0xFFFFE003, lr  }
0x1b: {  	s9 =	sadd.s32 $0xFFFFFEF7, lr;
	s5 =	simm.s32 $0xFFFFFFFF;
	p2 =	slt.u32 s8, $0xFFFFF086  }
0x1c: {  	p1 =	slt.u32 s9, $0xF7A;
	s5 =	simm.s32 @!p2 $0x0  }
0x1d: {  	s5 =	simm.s32 @p1 $0x1;
	p0 =	seq.s32 s7, s2  }
0x1e: {  	s7 =	smul.u32 @!p0 $0xF7A, s2;
	p2 =	seq.s32 @!p0 s5, $0x0  }
0x1f: {  	s9 =	smul.u32 $0xF7A, s1;
	s8 =	simm.s32 @!p0 $0x1BF5;
	p2 =	por !p2, p0  }
0x20: {  	[sflag:s8] =	ssyncset.s32 @!p0 $0xFFFFF086;
	s6 =	sadd.s32 @!p0 s3, s7;
	s7 =	simm.s32 @!p0 $0x108  }
0x21: {  	s3 =	sadd.s32 s3, s9;
	s6 =	sadd.s32 @!p0 $0x88, s6;
	s7 =	simm.s32 @p2 $0x1082  }
0x22: {  	[simem:s7], [sflag:s8] =	dma.local @!p0 [hbm:s6], $0xF7A  }
0x23: {  	s9 =	sor.u32 $0xD0000000, s2;
	s6 =	simm.s32 $0x108;
	_ =	swait.ge @!p0 [sflag:s8], $0x0  }
0x24: {  	s3 =	sadd.s32 $0x88, s3;
	s6 =	simm.s32 @!p1 $0x1082;
	[sflag:s4] =	ssyncset.s32 $0xFFFFF086  }
0x25: {  	[simem:s6], [sflag:s4] =	dma.local [hbm:s3], $0xF7A  }
0x26: {  	[smem:$0x3F97] =	sst s1;
	(tag) =	ssettag s2;
	_ =	strace s9  }
0x27: {  	s1 =	sld [smem:$0x3FA7]  }
0x28: {  	s2 =	sld [smem:$0x3FA8]  }
0x29: {  	s4 =	sld [smem:$0x3FAA]  }
0x2a: {  	p0 =	seq.s32 s5, $0x0;
	s5 =	sld [smem:$0x3FAB]  }
0x2b: {  	s6 =	sld [smem:$0x3FAC]  }
0x2c: {  	s7 =	sld [smem:$0x3FAD]  }
0x2d: {  	s3 =	simm.s32 $0x108;
	s8 =	sld [smem:$0x3FAE]  }
0x2e: {  	s3 =	simm.s32 @!p0 $0x1082;
	s9 =	sld [smem:$0x3FAF]  }
0x2f: {  	lr =	sadd.s32 s0, s3;
	s0 =	sld [smem:$0x3FA6]  }
0x30: {  	s3 =	sld [smem:$0x3FA9]  }
0x31: {  	[smem:$0x3FB2] =	sst s10  }
0x32: {  	s10 =	sld [smem:$0x3FB0];
	_ =	sdelay $0x3  }
0x33: {  	p0 =	seq.s32 s10, $0x1;
	s10 =	sld [smem:$0x3FB2];
	_ =	sdelay $0x3  }
0x34: {  	[smem:$0x3FB2] =	sst s10  }
0x35: {  	s10 =	sld [smem:$0x3FB1];
	_ =	sdelay $0x3  }
0x36: {  	p1 =	seq.s32 s10, $0x1;
	s10 =	sld [smem:$0x3FB2];
	_ =	sdelay $0x3  }
0x37: {  	[smem:$0x3FB2] =	sst s10  }
0x38: {  	s10 =	sld [smem:$0x3FB3]  }
0x39: {  	_ = 	snop;
	(pc) =	sbr.ind lr, $3  }
0x3a: {  	_ = 	snop  }
0x3b: {  	_ = 	snop  }
0x3c: {  	p2 =	seq.s32 s10, $0x1;
	s10 =	sld [smem:$0x3FB2]  }
0x3d: {  	_ =	shalt  }
0x3e: {  	_ =	shalt  }
0x3f: {  	_ =	shalt  }
0x40: {  	_ =	shalt  }
0x41: {  	_ =	shalt  }
0x42: {  	_ =	shalt  }
0x43: {  	_ =	shalt  }
0x44: {  	_ =	shalt  }
0x45: {  	_ =	shalt  }
0x46: {  	_ =	shalt  }
0x47: {  	_ =	shalt  }
0x48: {  	_ =	shalt  }
0x49: {  	_ =	shalt  }
0x4a: {  	_ =	shalt  }
0x4b: {  	_ =	shalt  }
0x4c: {  	_ =	shalt  }
0x4d: {  	_ =	shalt  }
0x4e: {  	_ =	shalt  }
0x4f: {  	_ =	shalt  }
0x50: {  	_ =	shalt  }
0x51: {  	_ =	shalt  }
0x52: {  	_ =	shalt  }
0x53: {  	_ =	shalt  }
0x54: {  	_ =	shalt  }
0x55: {  	_ =	shalt  }
0x56: {  	_ =	shalt  }
0x57: {  	_ =	shalt  }
0x58: {  	_ =	shalt  }
0x59: {  	_ =	shalt  }
0x5a: {  	_ =	shalt  }
0x5b: {  	_ =	shalt  }
0x5c: {  	_ =	shalt  }
0x5d: {  	_ =	shalt  }
0x5e: {  	_ =	shalt  }
0x5f: {  	_ =	shalt  }
0x60: {  	_ =	shalt  }
0x61: {  	_ =	shalt  }
0x62: {  	_ =	shalt  }
0x63: {  	_ =	shalt  }
0x64: {  	_ =	shalt  }
0x65: {  	_ =	shalt  }
0x66: {  	_ =	shalt  }
0x67: {  	_ =	shalt  }
0x68: {  	_ =	shalt  }
0x69: {  	_ =	shalt  }
0x6a: {  	_ =	shalt  }
0x6b: {  	_ =	shalt  }
0x6c: {  	_ =	shalt  }
0x6d: {  	_ =	shalt  }
0x6e: {  	_ =	shalt  }
0x6f: {  	_ =	shalt  }
0x70: {  	_ =	shalt  }
0x71: {  	_ =	shalt  }
0x72: {  	_ =	shalt  }
0x73: {  	_ =	shalt  }
0x74: {  	_ =	shalt  }
0x75: {  	_ =	shalt  }
0x76: {  	_ =	shalt  }
0x77: {  	_ =	shalt  }
0x78: {  	_ =	shalt  }
0x79: {  	_ =	shalt  }
0x7a: {  	_ =	shalt  }
0x7b: {  	_ =	shalt  }
0x7c: {  	_ =	shalt  }
0x7d: {  	_ =	shalt  }
0x7e: {  	_ =	shalt  }
0x7f: {  	_ =	shalt  }
0x80: {  	_ =	shalt  }
0x81: {  	_ =	shalt  }
0x82: {  	_ =	shalt  }
0x83: {  	_ =	shalt  }
0x84: {  	_ =	shalt  }
0x85: {  	_ =	shalt  }
0x86: {  	_ =	shalt  }
0x87: {  	_ =	shalt  }
.Lfunc_end0:
.L_simem_size_0:
called_computation.2_lowered:
.L_overlay_start_0:
0x88: {  	s2 =	sld [smem:$0x3FD9]  }
0x89: {  	s3 =	sld [smem:$0x3FFE];
	_ =	sdelay $0x1  }
0x8a: {  	s1 =	srdreg.scid  }
0x8b: {  	s0 =	sand.u32 $0x1, s1  }
0x8c: {  	s14 =	sshll.u32 s0, $0xA;
	s2 =	sadd.s32 s3, s2  }
0x8d: {  	s2 =	sadd.s32 s2, s14  }
0x8e: {  	[smem:$0x3FBE] =	sst s2  }
0x8f: {  	_ = 	snop  }
0x90: {  	s2 =	sld [smem:$0x3FD0];
	_ =	sdelay $0x2  }
0x91: {  	s15 =	simm.s32 $0xA;
	s4 =	simm.s32 $0x10  }
0x92: {  	[smem:s4], [sflag:s15] =	dma.local [hbm:s2], $0x1  }
0x93: {  	_ =	swait.eq [sflag:s15], $0x1  }
0x94: {  	[sflag:s15] =	ssyncset.done $0x0  }
0x95: {  	[sflag:s15] =	ssyncadd.s32 $0xFFFFFFFF  }
0x96: {  	s16 =	sld [smem:$0x11];
	(tm) =	ssettm $0x1  }
0x97: {  	s17 =	sld [smem:$0x3FFB];
	_ =	sdelay $0x3  }
0x98: {  	_ =	strace s17  }
0x99: {  	s3 =	sld [smem:$0x3FFC];
	_ =	sdelay $0x3  }
0x9a: {  	_ =	strace s3  }
0x9b: {  	s3 =	sld [smem:$0x3FFD];
	_ =	sdelay $0x3  }
0x9c: {  	_ =	strace s3  }
0x9d: {  	_ =	strace $0x8FFFFFFF  }
0x9e: {  	s18 =	sld [smem:$0x3FDB];
	_ =	sdelay $0x1  }
0x9f: {  	s19 =	simm.s32 $_scs_section_size  }
0xa0: {  	s5 =	simm.s32 $_size__tile_overlayer_lowered;
	s6 =	simm.s32 $_tile_overlayer_lowered  }
0xa1: {  	s22 =	simm.s32 $0x1BFF;
	s21 =	sshll.u32 s6, $0x1;
	s3 =	sadd.s32 s19, s18  }
0xa2: {  	s7 =	simm.s32 $0x0;
	s20 =	sshll.u32 s5, $0x1;
	s5 =	sadd.s32 s21, s3  }
0xa3: {  	[timem:s7], [sflag:s22] =	dma.local [hbm:s5], s20  }
0xa4: {  	_ =	swait.ge [sflag:s22], s20  }
0xa5: {  	s4 =	ssub.s32 $0x0, s20;
	[sflag:s22] =	ssyncset.done $0x0  }
0xa6: {  	[sflag:s22] =	ssyncadd.s32 s4;
	_ =	sdelay $0x1  }
0xa7: {  	s23 =	simm.s32 $0x1B8B  }
0xa8: {  	_ =	swait.ge [sflag:s23], $0x1  }
0xa9: {  	[sflag:s23] =	ssyncset.done $0x0  }
0xaa: {  	s25 =	simm.s32 $0x1B8E;
	s24 =	sld [smem:$0x3FFE];
	[sflag:s23] =	ssyncadd.s32 $0xFFFFFFFF  }
0xab: {  	s26 =	simm.s32 $execute0_lowered;
	[smem:$0x3FD2] =	sst s25  }
0xac: {  	s5 =	sshll.u32 s26, $0x1;
	_ =	strace $0x8000004C;
	[dreg:$0x1] =	wrdreg $0xFFFFFFFF  }
0xad: {  	s28 =	simm.s32 $_size_execute0_lowered;
	s3 =	sadd.s32 s3, s5;
	[dreg:$0x0] =	wrdreg $0x0  }
0xae: {  	s5 =	sshll.u32 s28, $0x1;
	[dreg:$0x2] =	wrdreg s3  }
0xaf: {  	[dreg:$0x3] =	wrdreg s5  }
0xb0: {  	[dreg:$0x4] =	wrdreg $0xC0  }
0xb1: {  	_ =	task [dreg:s7], $0x5FFFF  }
0xb2: {  	[dreg:$0x1] =	wrdreg $0xFFFFFFFF  }
0xb3: {  	[dreg:$0x0] =	wrdreg $0x60  }
0xb4: {  	[dreg:$0x2] =	wrdreg s16  }
0xb5: {  	[dreg:$0x3] =	wrdreg s24  }
0xb6: {  	[dreg:$0x4] =	wrdreg $0x41000  }
0xb7: {  	[dreg:$0x5] =	wrdreg $0x9  }
0xb8: {  	_ =	task.clear_ibuf [dreg:s7], $0x6FFFF;
	_ =	strace $0x9000004C  }
0xb9: {  	s29 =	simm.s32 $0x9;
	_ =	strace $0x8000004E  }
0xba: {  	_ =	swait.ge [sflag:s29], $0x1  }
0xbb: {  	[sflag:s29] =	ssyncadd.s32 $0xFFFFFFFF  }
0xbc: {  	_ =	strace $0x9000004E  }
0xbd: {  	_ =	sfence  }
0xbe: {  	s30 =	sld [smem:$0x0];
	_ =	sdelay $0x2  }
0xbf: {  	s31 =	sshll.u32 s1, $0xD;
	s1 =	sshrl.u32 s1, $0x2  }
0xc0: {  	s3 =	sand.u32 $0x4000, s31;
	s1 =	sadd.s32 s1, s30  }
0xc1: {  	s0 =	sor.u32 s3, s0;
	s1 =	sshll.u32 s1, $0x11  }
0xc2: {  	s0 =	sor.u32 s1, s0  }
0xc3: {  	s0 =	sadd.s32 $0x8F2B, s0  }
0xc4: {  	[sflag:s0] =	ssyncadd.remote.s32 $0x1  }
0xc5: {  	_ =	sfence.sel $0xFFFF  }
0xc6: {  	[dreg:$0x0] =	wrdreg $0xFFFFFFFF;
	(pc) =	sbr.abs _section_cstart, $3  }
0xc7: {  	[dreg:$0x1] =	wrdreg $0xFFFFFFFF  }
0xc8: {  	_ =	task.clear_ibuf [dreg:s7], $0x2FFFF;
	_ =	strace $0x9FFFFFFF  }
0xc9: {  	(tm) =	ssettm $0x7FFFFFFF  }
tec
execute0_lowered:
.L_overlay_start_1:
0x0: {  	(tag) =	ssettag $0x1  }
0x1: {  	s2 =	rddreg [dreg:$0x0]  }
0x2: {  	s5 =	rddreg [dreg:$0x1]  }
0x3: {  	s3 =	rddreg [dreg:$0x2]  }
0x4: {  	s0 =	stileid.u32;
	s4 =	srdreg.scid  }
0x5: {  	s1 =	rddreg [dreg:$0x3];
	s21 =	simm.s32 $0x80;
	s6 =	smul.u32 $0x3A, s0  }
0x6: {  	s22 =	simm.s32 $0x1;
	s23 =	simm.s32 $0x0;
	s8 =	smul.u32 $0x63, s0  }
0x7: {  	s7 =	sand.u32 $0x1, s4;
	s4 =	simm.s32 $0x0;
	s26 =	smul.u32 $0x50000, s0  }
0x8: {  	s10 =	smul.u32 $0x14000, s0;
	s15 =	sadd.s32 $0x20400, s5;
	p0 =	seq.s32 s7, $0x0  }
0x9: {  	[smem:$0x7FF] =	sst s4;
	s28 =	ssub.s32 $0x2, s7;
	s14 =	smul.u32 $0x140000, s7  }
0xa: {  	s6 =	sadd.s32 $0x630, s6;
	_ =	strace $0x8000004D;
	s29 =	sshrl.u32 s28, $0x1  }
0xb: {  	s11 =	sadd.s32 $0x4000, s10;
	s13 =	sadd.s32 $0x8000, s10;
	s17 =	sadd.s32 $0xC000, s10  }
0xc: {  	s19 =	sadd.s32 $0x10000, s10;
	s6 =	smov.u32 @p0 s8;
	s8 =	sshrl.u32 s26, $0x2  }
0xd: {  	s16 =	ssub.s32 s28, s29;
	s7 =	sadd.s32 s13, s3;
	s9 =	sadd.s32 s19, s3  }
0xe: {  	s12 =	sadd.s32 s10, s14;
	s10 =	simm.s32 $0x63;
	s20 =	sadd.s32 s14, s11  }
0xf: {  	s13 =	sadd.s32 s14, s13;
	s19 =	sadd.s32 s14, s19;
	s6 =	sshll.u32 s6, $0x4  }
0x10: {  	s12 =	sshrl.u32 s12, $0x3;
	s10 =	simm.s32 @!p0 $0x3A;
	s30 =	sshrl.u32 s20, $0x3  }
0x11: {  	s13 =	sshrl.u32 s13, $0x3;
	s31 =	sshrl.u32 s19, $0x3;
	s16 =	smax.u32 s16, $0x1  }
0x12: {  	s19 =	simm.s32 $0x100;
	s20 =	simm.s32 $0x2;
	s18 =	sadd.s32 s6, s5  }
0x13: {  	s5 =	sadd.s32 s8, s3;
	s8 =	sadd.s32 s17, s3;
	s17 =	sadd.s32 s14, s17  }
0x14: {  	s6 =	sadd.s32 s11, s3;
	s11 =	sadd.s32 s15, s12;
	s17 =	sshrl.u32 s17, $0x3  }
0x15: {  	s12 =	sadd.s32 s15, s30;
	s13 =	sadd.s32 s15, s13;
	s14 =	sadd.s32 s15, s17  }
0x16: {  	v0 =	vimm.f32 $0.0e+00;
	s15 =	sadd.s32 s15, s31;
	s17 =	sadd.s32 $0xC800, s18;
	s18 =	sadd.s32 $0x16600, s18  }
.LBB2_1:
0x17: {  	s24 =	simm.s32 $0x0;
	s25 =	simm.s32 $0x200  }
.LBB2_2:
0x18: {  	p0 =	sne.s32 s25, $0xFE00;
	[tilespmem:s24+$0x170] =	vst v0  }
0x19: {  	[tilespmem:s24+$0x100] =	vst v0  }
0x1a: {  	[tilespmem:s24+$0x110] =	vst v0  }
.Ltmp0:
0x1b: {  	[tilespmem:s24+$0x120] =	vst v0;
	(pc) =	sbr.rel @p0 .LBB2_2-.Ltmp0, $4  }
0x1c: {  	[tilespmem:s24+$0x130] =	vst v0  }
0x1d: {  	[tilespmem:s24+$0x140] =	vst v0  }
0x1e: {  	[tilespmem:s24+$0x150] =	vst v0  }
0x1f: {  	[tilespmem:s24+$0x160] =	vst v0;
	s24 =	sshra.s32 s25, $0x2;
	s25 =	sadd.s32 $0x200, s25  }
0x20: {  	[tilespmem:s24+$0x170] =	vst v0  }
0x21: {  	[tilespmem:s24+$0x100] =	vst v0  }
0x22: {  	[tilespmem:s24+$0x110] =	vst v0  }
0x23: {  	[tilespmem:s24+$0x120] =	vst v0  }
0x24: {  	[tilespmem:s24+$0x130] =	vst v0  }
0x25: {  	[tilespmem:s24+$0x140] =	vst v0  }
0x26: {  	[tilespmem:s24+$0x150] =	vst v0  }
0x27: {  	[tilespmem:s24+$0x160] =	vst v0  }
0x28: {  	[spmem:s5] =	stream.linear.scatter [tilespmem:s19], [sflag:$0x2], $0x4000, $0x38;
	[tilespmem:$0x18100] =	vst v63  }
0x29: {  	_ =	swait.ge [sflag:s20], $0x4000  }
0x2a: {  	[sflag:s20] =	ssyncset.done $0x0  }
0x2b: {  	[sflag:s20] =	ssyncadd.s32 $0xFFFFC000  }
0x2c: {  	[spmem:s6] =	stream.linear.scatter [tilespmem:s19], [sflag:$0x2], $0x4000, $0x38;
	[tilespmem:$0x18100] =	vst v63  }
0x2d: {  	_ =	swait.ge [sflag:s20], $0x4000  }
0x2e: {  	[sflag:s20] =	ssyncset.done $0x0  }
0x2f: {  	[sflag:s20] =	ssyncadd.s32 $0xFFFFC000  }
0x30: {  	[spmem:s7] =	stream.linear.scatter [tilespmem:s19], [sflag:$0x2], $0x4000, $0x38;
	[tilespmem:$0x18100] =	vst v63  }
0x31: {  	_ =	swait.ge [sflag:s20], $0x4000  }
0x32: {  	[sflag:s20] =	ssyncset.done $0x0  }
0x33: {  	[sflag:s20] =	ssyncadd.s32 $0xFFFFC000  }
0x34: {  	[spmem:s8] =	stream.linear.scatter [tilespmem:s19], [sflag:$0x2], $0x4000, $0x38;
	[tilespmem:$0x18100] =	vst v63  }
0x35: {  	_ =	swait.ge [sflag:s20], $0x4000  }
0x36: {  	[sflag:s20] =	ssyncset.done $0x0  }
0x37: {  	[sflag:s20] =	ssyncadd.s32 $0xFFFFC000  }
0x38: {  	[spmem:s9] =	stream.linear.scatter [tilespmem:s19], [sflag:$0x2], $0x4000, $0x38;
	[tilespmem:$0x18100] =	vst v63  }
0x39: {  	_ =	swait.ge [sflag:s20], $0x4000  }
0x3a: {  	[sflag:s20] =	ssyncset.done $0x0  }
0x3b: {  	[sflag:s20] =	ssyncadd.s32 $0xFFFFC000  }
0x3c: {  	[bflag:$0x0] =	sbarrier.arrive $0xFFFF  }
0x3d: {  	[tilespmem:s4], [sflag:$0x2] =	stream.linear.gather [hbm4b:s18+s4], $0x80, $0x38;
	[tilespmem:$0x18100] =	vst v63  }
0x3e: {  	_ =	swait.ge [sflag:s20], $0x80  }
0x3f: {  	[sflag:s20] =	ssyncset.done $0x0  }
0x40: {  	[sflag:s20] =	ssyncadd.s32 $0xFFFFFF80  }
0x41: {  	[tilespmem:s21], [sflag:$0x2] =	stream.linear.gather [hbm4b:s17+s4], $0x80, $0x38;
	[tilespmem:$0x18100] =	vst v63  }
0x42: {  	_ =	swait.ge [sflag:s20], $0x80  }
0x43: {  	[sflag:s20] =	ssyncset.done $0x0  }
0x44: {  	[sflag:s20] =	ssyncadd.s32 $0xFFFFFF80  }
0x45: {  	[tilespmem:s19], [sflag:$0x1] =	stream.indirect.gather [hbm4b:s2+s21], $0x80, s4, s21, $0xb8;
	[tilespmem:$0x18100] =	vst v63  }
0x46: {  	p0 =	sne.s32 s10, $0x1;
	_ =	swait.ge [sflag:s22], $0x4000  }
.Ltmp1:
0x47: {  	[sflag:s22] =	ssyncset.done $0x0;
	(pc) =	sbr.rel @!p0 .LBB2_5-.Ltmp1, $4  }
0x48: {  	[sflag:s22] =	ssyncadd.s32 $0xFFFFC000  }
0x49: {  	[spmem:s3] =	stream.indirect.scatter.add.f32 [tilespmem:s19], [sflag:$0x2], $0x80, s21, s21, $0xb8;
	[tilespmem:$0x18100] =	vst v63  }
0x4a: {  	s24 =	sadd.s32 $0xFFFFFFFF, s10;
	_ =	swait.ge [sflag:s20], $0x4000  }
0x4b: {  	s25 =	smov.u32 s17;
	s26 =	smov.u32 s18;
	[sflag:s20] =	ssyncset.done $0x0  }
.LBB2_4:
0x4c: {  	[sflag:s20] =	ssyncadd.s32 $0xFFFFC000;
	s25 =	sadd.s32 $0x10, s25;
	s26 =	sadd.s32 $0x10, s26  }
0x4d: {  	[tilespmem:s4], [sflag:$0x2] =	stream.linear.gather [hbm4b:s26+s4], $0x80, $0x38;
	[tilespmem:$0x18100] =	vst v63  }
0x4e: {  	p0 =	sne.s32 s24, $0x1;
	s24 =	sadd.s32 $0xFFFFFFFF, s24;
	_ =	swait.ge [sflag:s20], $0x80  }
0x4f: {  	[sflag:s20] =	ssyncset.done $0x0  }
0x50: {  	[sflag:s20] =	ssyncadd.s32 $0xFFFFFF80  }
0x51: {  	[tilespmem:s21], [sflag:$0x2] =	stream.linear.gather [hbm4b:s25+s4], $0x80, $0x38;
	[tilespmem:$0x18100] =	vst v63  }
0x52: {  	_ =	swait.ge [sflag:s20], $0x80  }
0x53: {  	[sflag:s20] =	ssyncset.done $0x0  }
0x54: {  	[sflag:s20] =	ssyncadd.s32 $0xFFFFFF80  }
0x55: {  	[tilespmem:s19], [sflag:$0x1] =	stream.indirect.gather [hbm4b:s2+s21], $0x80, s4, s21, $0xb8;
	[tilespmem:$0x18100] =	vst v63  }
0x56: {  	_ =	swait.ge [sflag:s22], $0x4000  }
.Ltmp2:
0x57: {  	[sflag:s22] =	ssyncset.done $0x0;
	(pc) =	sbr.rel @p0 .LBB2_4-.Ltmp2, $4  }
0x58: {  	[sflag:s22] =	ssyncadd.s32 $0xFFFFC000  }
0x59: {  	[spmem:s3] =	stream.indirect.scatter.add.f32 [tilespmem:s19], [sflag:$0x2], $0x80, s21, s21, $0xb8;
	[tilespmem:$0x18100] =	vst v63  }
0x5a: {  	_ =	swait.ge [sflag:s20], $0x4000  }
0x5b: {  	[sflag:s20] =	ssyncset.done $0x0  }
.LBB2_5:
0x5c: {  	[sflag:s20] =	ssyncadd.s32 $0xFFFFC000;
	s24 =	sshll.u32 s0, $0x6  }
0x5d: {  	s25 =	sshrl.u32 s5, $0x3;
	[bflag:$0x0] =	sbarrier.arrive $0xFFFF;
	s24 =	sor.u32 $0x1C02, s24  }
0x5e: {  	[hbm:s11], [sflag:s24] =	dma.local [spmem:s25], $0x800  }
0x5f: {  	_ =	swait.ge [sflag:s20], $0x800  }
0x60: {  	[sflag:s20] =	ssyncset.done $0x0  }
0x61: {  	s28 =	sshrl.u32 s6, $0x3;
	[sflag:s20] =	ssyncadd.s32 $0xFFFFF800  }
0x62: {  	[hbm:s12], [sflag:s24] =	dma.local [spmem:s28], $0x800  }
0x63: {  	_ =	swait.ge [sflag:s20], $0x800  }
0x64: {  	[sflag:s20] =	ssyncset.done $0x0  }
0x65: {  	s29 =	sshrl.u32 s7, $0x3;
	[sflag:s20] =	ssyncadd.s32 $0xFFFFF800  }
0x66: {  	[hbm:s13], [sflag:s24] =	dma.local [spmem:s29], $0x800  }
0x67: {  	_ =	swait.ge [sflag:s20], $0x800  }
0x68: {  	[sflag:s20] =	ssyncset.done $0x0  }
0x69: {  	s30 =	sshrl.u32 s8, $0x3;
	[sflag:s20] =	ssyncadd.s32 $0xFFFFF800  }
0x6a: {  	[hbm:s14], [sflag:s24] =	dma.local [spmem:s30], $0x800  }
0x6b: {  	s23 =	sadd.s32 $0x1, s23;
	_ =	swait.ge [sflag:s20], $0x800  }
0x6c: {  	p0 =	sne.s32 s23, s16;
	[sflag:s20] =	ssyncset.done $0x0  }
.Ltmp3:
0x6d: {  	s31 =	sshrl.u32 s9, $0x3;
	[sflag:s20] =	ssyncadd.s32 $0xFFFFF800;
	(pc) =	sbr.rel @p0 .LBB2_1-.Ltmp3, $4  }
0x6e: {  	[hbm:s15], [sflag:s24] =	dma.local [spmem:s31], $0x800  }
0x6f: {  	_ =	swait.ge [sflag:s20], $0x800  }
0x70: {  	[sflag:s20] =	ssyncset.done $0x0  }
0x71: {  	[sflag:s20] =	ssyncadd.s32 $0xFFFFF800  }
0x72: {  	_ =	sfence.sel $0x180000  }
0x73: {  	[bflag:$0x0] =	sbarrier.arrive $0xFFFF  }
0x74: {  	p0 =	sne.s32 s0, $0x0;
	_ =	strace $0x9000004D  }
0x75: {  	s0 =	sadd.s32 @!p0 $0x100000, s1;
	[bflag:$0x2] =	sbarrier.arrive $0xFFFF  }
0x76: {  	[sflag:s0] =	ssyncadd.tile.s32 @!p0 $0x1;
	_ =	shalt  }
.Lfunc_end2:
_tile_overlayer_lowered:
.L_overlay_start_2:
0x77: {  	(tag) =	ssettag $0x2  }
0x78: {  	s0 =	rddreg [dreg:$0x0];
	s2 =	stileid.u32  }
0x79: {  	s1 =	rddreg [dreg:$0x1];
	p0 =	sne.s32 s2, $0x0  }
0x7a: {  	s3 =	rddreg [dreg:$0x2];
	[bflag:$0x3] =	sbarrier.arrive $0xFFFF;
	s2 =	simm.s32 @!p0 $0x1C02  }
0x7b: {  	[timem:s3], [sflag:s2] =	dma.local @!p0 [hbm:s0], s1  }
0x7c: {  	s0 =	simm.s32 @!p0 $0x2  }
0x7d: {  	_ =	swait.ge @!p0 [sflag:s0], s1  }
0x7e: {  	s1 =	ssub.s32 @!p0 $0x0, s1;
	[sflag:s0] =	ssyncset.done @!p0 $0x0  }
0x7f: {  	[sflag:s0] =	ssyncadd.s32 @!p0 s1  }
0x80: {  	[bflag:$0x3] =	sbarrier.arrive $0xFFFF  }
0x81: {  	_ =	shalt  }

// kernel: kernel.8.cloned.1.call-start
scs
__scs_entry_jumppad:
0x0: {  	(pc) =	sbr.rel $0x88, $3  }
0x1: {  	(tag) =	ssettag $0x0;
	lr =	simm.s32 $0x1  }
0x2: {  	[smem:$0x3F97] =	sst lr;
	_ =	strace $0xD0000000  }
0x3: {  	_ = 	snop  }
0x4: {  	_ = 	snop  }
0x5: {  	_ = 	snop  }
0x6: {  	_ = 	snop  }
0x7: {  	_ = 	snop  }
__scs_overlays_trampoline_lowered:
0x8: {  	[smem:$0x3FA6] =	sst s0  }
0x9: {  	[smem:$0x3FA7] =	sst s1  }
0xa: {  	[smem:$0x3FA8] =	sst s2  }
0xb: {  	[smem:$0x3FA9] =	sst s3  }
0xc: {  	[smem:$0x3FAA] =	sst s4  }
0xd: {  	[smem:$0x3FAB] =	sst s5  }
0xe: {  	[smem:$0x3FAC] =	sst s6  }
0xf: {  	[smem:$0x3FAD] =	sst s7  }
0x10: {  	[smem:$0x3FAE] =	sst s8  }
0x11: {  	[smem:$0x3FAF] =	sst s9;
	s0 =	simm.s32 @!p0 $0x0  }
0x12: {  	s1 =	sld [smem:$0x3F95];
	s0 =	simm.s32 @p0 $0x1  }
0x13: {  	[smem:$0x3FB0] =	sst s0;
	s0 =	simm.s32 @!p1 $0x0  }
0x14: {  	s2 =	sld [smem:$0x3F94];
	s0 =	simm.s32 @p1 $0x1  }
0x15: {  	[smem:$0x3FB1] =	sst s0;
	s0 =	simm.s32 @!p2 $0x0  }
0x16: {  	s3 =	sld [smem:$0x3FDB];
	s0 =	simm.s32 @p2 $0x1  }
0x17: {  	s4 =	simm.s32 $0x1BF5;
	[smem:$0x3FB3] =	sst s0  }
0x18: {  	s0 =	sld [smem:$0x3F96];
	_ =	swait.ge [sflag:s4], $0x0  }
0x19: {  	s7 =	sld [smem:$0x3F97]  }
0x1a: {  	s8 =	sadd.s32 $0xFFFFE003, lr  }
0x1b: {  	s9 =	sadd.s32 $0xFFFFFEF7, lr;
	s5 =	simm.s32 $0xFFFFFFFF;
	p2 =	slt.u32 s8, $0xFFFFF086  }
0x1c: {  	p1 =	slt.u32 s9, $0xF7A;
	s5 =	simm.s32 @!p2 $0x0  }
0x1d: {  	s5 =	simm.s32 @p1 $0x1;
	p0 =	seq.s32 s7, s2  }
0x1e: {  	s7 =	smul.u32 @!p0 $0xF7A, s2;
	p2 =	seq.s32 @!p0 s5, $0x0  }
0x1f: {  	s9 =	smul.u32 $0xF7A, s1;
	s8 =	simm.s32 @!p0 $0x1BF5;
	p2 =	por !p2, p0  }
0x20: {  	[sflag:s8] =	ssyncset.s32 @!p0 $0xFFFFF086;
	s6 =	sadd.s32 @!p0 s3, s7;
	s7 =	simm.s32 @!p0 $0x108  }
0x21: {  	s3 =	sadd.s32 s3, s9;
	s6 =	sadd.s32 @!p0 $0x88, s6;
	s7 =	simm.s32 @p2 $0x1082  }
0x22: {  	[simem:s7], [sflag:s8] =	dma.local @!p0 [hbm:s6], $0xF7A  }
0x23: {  	s9 =	sor.u32 $0xD0000000, s2;
	s6 =	simm.s32 $0x108;
	_ =	swait.ge @!p0 [sflag:s8], $0x0  }
0x24: {  	s3 =	sadd.s32 $0x88, s3;
	s6 =	simm.s32 @!p1 $0x1082;
	[sflag:s4] =	ssyncset.s32 $0xFFFFF086  }
0x25: {  	[simem:s6], [sflag:s4] =	dma.local [hbm:s3], $0xF7A  }
0x26: {  	[smem:$0x3F97] =	sst s1;
	(tag) =	ssettag s2;
	_ =	strace s9  }
0x27: {  	s1 =	sld [smem:$0x3FA7]  }
0x28: {  	s2 =	sld [smem:$0x3FA8]  }
0x29: {  	s4 =	sld [smem:$0x3FAA]  }
0x2a: {  	p0 =	seq.s32 s5, $0x0;
	s5 =	sld [smem:$0x3FAB]  }
0x2b: {  	s6 =	sld [smem:$0x3FAC]  }
0x2c: {  	s7 =	sld [smem:$0x3FAD]  }
0x2d: {  	s3 =	simm.s32 $0x108;
	s8 =	sld [smem:$0x3FAE]  }
0x2e: {  	s3 =	simm.s32 @!p0 $0x1082;
	s9 =	sld [smem:$0x3FAF]  }
0x2f: {  	lr =	sadd.s32 s0, s3;
	s0 =	sld [smem:$0x3FA6]  }
0x30: {  	s3 =	sld [smem:$0x3FA9]  }
0x31: {  	[smem:$0x3FB2] =	sst s10  }
0x32: {  	s10 =	sld [smem:$0x3FB0];
	_ =	sdelay $0x3  }
0x33: {  	p0 =	seq.s32 s10, $0x1;
	s10 =	sld [smem:$0x3FB2];
	_ =	sdelay $0x3  }
0x34: {  	[smem:$0x3FB2] =	sst s10  }
0x35: {  	s10 =	sld [smem:$0x3FB1];
	_ =	sdelay $0x3  }
0x36: {  	p1 =	seq.s32 s10, $0x1;
	s10 =	sld [smem:$0x3FB2];
	_ =	sdelay $0x3  }
0x37: {  	[smem:$0x3FB2] =	sst s10  }
0x38: {  	s10 =	sld [smem:$0x3FB3]  }
0x39: {  	_ = 	snop;
	(pc) =	sbr.ind lr, $3  }
0x3a: {  	_ = 	snop  }
0x3b: {  	_ = 	snop  }
0x3c: {  	p2 =	seq.s32 s10, $0x1;
	s10 =	sld [smem:$0x3FB2]  }
0x3d: {  	_ =	shalt  }
0x3e: {  	_ =	shalt  }
0x3f: {  	_ =	shalt  }
0x40: {  	_ =	shalt  }
0x41: {  	_ =	shalt  }
0x42: {  	_ =	shalt  }
0x43: {  	_ =	shalt  }
0x44: {  	_ =	shalt  }
0x45: {  	_ =	shalt  }
0x46: {  	_ =	shalt  }
0x47: {  	_ =	shalt  }
0x48: {  	_ =	shalt  }
0x49: {  	_ =	shalt  }
0x4a: {  	_ =	shalt  }
0x4b: {  	_ =	shalt  }
0x4c: {  	_ =	shalt  }
0x4d: {  	_ =	shalt  }
0x4e: {  	_ =	shalt  }
0x4f: {  	_ =	shalt  }
0x50: {  	_ =	shalt  }
0x51: {  	_ =	shalt  }
0x52: {  	_ =	shalt  }
0x53: {  	_ =	shalt  }
0x54: {  	_ =	shalt  }
0x55: {  	_ =	shalt  }
0x56: {  	_ =	shalt  }
0x57: {  	_ =	shalt  }
0x58: {  	_ =	shalt  }
0x59: {  	_ =	shalt  }
0x5a: {  	_ =	shalt  }
0x5b: {  	_ =	shalt  }
0x5c: {  	_ =	shalt  }
0x5d: {  	_ =	shalt  }
0x5e: {  	_ =	shalt  }
0x5f: {  	_ =	shalt  }
0x60: {  	_ =	shalt  }
0x61: {  	_ =	shalt  }
0x62: {  	_ =	shalt  }
0x63: {  	_ =	shalt  }
0x64: {  	_ =	shalt  }
0x65: {  	_ =	shalt  }
0x66: {  	_ =	shalt  }
0x67: {  	_ =	shalt  }
0x68: {  	_ =	shalt  }
0x69: {  	_ =	shalt  }
0x6a: {  	_ =	shalt  }
0x6b: {  	_ =	shalt  }
0x6c: {  	_ =	shalt  }
0x6d: {  	_ =	shalt  }
0x6e: {  	_ =	shalt  }
0x6f: {  	_ =	shalt  }
0x70: {  	_ =	shalt  }
0x71: {  	_ =	shalt  }
0x72: {  	_ =	shalt  }
0x73: {  	_ =	shalt  }
0x74: {  	_ =	shalt  }
0x75: {  	_ =	shalt  }
0x76: {  	_ =	shalt  }
0x77: {  	_ =	shalt  }
0x78: {  	_ =	shalt  }
0x79: {  	_ =	shalt  }
0x7a: {  	_ =	shalt  }
0x7b: {  	_ =	shalt  }
0x7c: {  	_ =	shalt  }
0x7d: {  	_ =	shalt  }
0x7e: {  	_ =	shalt  }
0x7f: {  	_ =	shalt  }
0x80: {  	_ =	shalt  }
0x81: {  	_ =	shalt  }
0x82: {  	_ =	shalt  }
0x83: {  	_ =	shalt  }
0x84: {  	_ =	shalt  }
0x85: {  	_ =	shalt  }
0x86: {  	_ =	shalt  }
0x87: {  	_ =	shalt  }
.Lfunc_end0:
.L_simem_size_0:
called_computation_lowered:
.L_overlay_start_0:
0x88: {  	s2 =	sld [smem:$0x3FD9]  }
0x89: {  	s3 =	sld [smem:$0x3FFE];
	_ =	sdelay $0x1  }
0x8a: {  	s1 =	srdreg.scid  }
0x8b: {  	s0 =	sand.u32 $0x1, s1  }
0x8c: {  	s14 =	sshll.u32 s0, $0xA;
	s2 =	sadd.s32 s3, s2  }
0x8d: {  	s2 =	sadd.s32 s2, s14  }
0x8e: {  	[smem:$0x3FBE] =	sst s2  }
0x8f: {  	_ = 	snop  }
0x90: {  	s2 =	sld [smem:$0x3FD0];
	_ =	sdelay $0x2  }
0x91: {  	s15 =	simm.s32 $0xA;
	s4 =	simm.s32 $0x10  }
0x92: {  	[smem:s4], [sflag:s15] =	dma.local [hbm:s2], $0x1  }
0x93: {  	_ =	swait.eq [sflag:s15], $0x1  }
0x94: {  	[sflag:s15] =	ssyncset.done $0x0  }
0x95: {  	[sflag:s15] =	ssyncadd.s32 $0xFFFFFFFF  }
0x96: {  	s16 =	sld [smem:$0x11];
	(tm) =	ssettm $0x1  }
0x97: {  	s17 =	sld [smem:$0x3FFB];
	_ =	sdelay $0x3  }
0x98: {  	_ =	strace s17  }
0x99: {  	s3 =	sld [smem:$0x3FFC];
	_ =	sdelay $0x3  }
0x9a: {  	_ =	strace s3  }
0x9b: {  	s3 =	sld [smem:$0x3FFD];
	_ =	sdelay $0x3  }
0x9c: {  	_ =	strace s3  }
0x9d: {  	_ =	strace $0x8FFFFFFF  }
0x9e: {  	s18 =	sld [smem:$0x3FDB];
	_ =	sdelay $0x1  }
0x9f: {  	s19 =	simm.s32 $_scs_section_size  }
0xa0: {  	s5 =	simm.s32 $_size__tile_overlayer_lowered;
	s6 =	simm.s32 $_tile_overlayer_lowered  }
0xa1: {  	s22 =	simm.s32 $0x1BFF;
	s21 =	sshll.u32 s6, $0x1;
	s3 =	sadd.s32 s19, s18  }
0xa2: {  	s7 =	simm.s32 $0x0;
	s20 =	sshll.u32 s5, $0x1;
	s5 =	sadd.s32 s21, s3  }
0xa3: {  	[timem:s7], [sflag:s22] =	dma.local [hbm:s5], s20  }
0xa4: {  	_ =	swait.ge [sflag:s22], s20  }
0xa5: {  	s4 =	ssub.s32 $0x0, s20;
	[sflag:s22] =	ssyncset.done $0x0  }
0xa6: {  	[sflag:s22] =	ssyncadd.s32 s4;
	_ =	sdelay $0x1  }
0xa7: {  	s23 =	simm.s32 $0x1B8B  }
0xa8: {  	_ =	swait.ge [sflag:s23], $0x1  }
0xa9: {  	[sflag:s23] =	ssyncset.done $0x0  }
0xaa: {  	s25 =	simm.s32 $0x1B8E;
	s24 =	sld [smem:$0x3FFE];
	[sflag:s23] =	ssyncadd.s32 $0xFFFFFFFF  }
0xab: {  	s26 =	simm.s32 $execute0_lowered;
	[smem:$0x3FD2] =	sst s25  }
0xac: {  	s5 =	sshll.u32 s26, $0x1;
	_ =	strace $0x80000046;
	[dreg:$0x1] =	wrdreg $0xFFFFFFFF  }
0xad: {  	s28 =	simm.s32 $_size_execute0_lowered;
	s3 =	sadd.s32 s3, s5;
	[dreg:$0x0] =	wrdreg $0x0  }
0xae: {  	s5 =	sshll.u32 s28, $0x1;
	[dreg:$0x2] =	wrdreg s3  }
0xaf: {  	[dreg:$0x3] =	wrdreg s5  }
0xb0: {  	[dreg:$0x4] =	wrdreg $0xC0  }
0xb1: {  	_ =	task [dreg:s7], $0x5FFFF  }
0xb2: {  	[dreg:$0x1] =	wrdreg $0xFFFFFFFF  }
0xb3: {  	[dreg:$0x0] =	wrdreg $0x60  }
0xb4: {  	[dreg:$0x2] =	wrdreg s16  }
0xb5: {  	[dreg:$0x3] =	wrdreg s24  }
0xb6: {  	[dreg:$0x4] =	wrdreg $0x52800  }
0xb7: {  	[dreg:$0x5] =	wrdreg $0x9  }
0xb8: {  	_ =	task.clear_ibuf [dreg:s7], $0x6FFFF;
	_ =	strace $0x90000046  }
0xb9: {  	s29 =	simm.s32 $0x9;
	_ =	strace $0x80000048  }
0xba: {  	_ =	swait.ge [sflag:s29], $0x1  }
0xbb: {  	[sflag:s29] =	ssyncadd.s32 $0xFFFFFFFF  }
0xbc: {  	_ =	strace $0x90000048  }
0xbd: {  	_ =	sfence  }
0xbe: {  	s30 =	sld [smem:$0x0];
	_ =	sdelay $0x2  }
0xbf: {  	s31 =	sshll.u32 s1, $0xD;
	s1 =	sshrl.u32 s1, $0x2  }
0xc0: {  	s3 =	sand.u32 $0x4000, s31;
	s1 =	sadd.s32 s1, s30  }
0xc1: {  	s0 =	sor.u32 s3, s0;
	s1 =	sshll.u32 s1, $0x11  }
0xc2: {  	s0 =	sor.u32 s1, s0  }
0xc3: {  	s0 =	sadd.s32 $0x8F2B, s0  }
0xc4: {  	[sflag:s0] =	ssyncadd.remote.s32 $0x1  }
0xc5: {  	_ =	sfence.sel $0xFFFF  }
0xc6: {  	[dreg:$0x0] =	wrdreg $0xFFFFFFFF;
	(pc) =	sbr.abs _section_cstart, $3  }
0xc7: {  	[dreg:$0x1] =	wrdreg $0xFFFFFFFF  }
0xc8: {  	_ =	task.clear_ibuf [dreg:s7], $0x2FFFF;
	_ =	strace $0x9FFFFFFF  }
0xc9: {  	(tm) =	ssettm $0x7FFFFFFF  }
tec
execute0_lowered:
.L_overlay_start_1:
0x0: {  	(tag) =	ssettag $0x1  }
0x1: {  	s6 =	rddreg [dreg:$0x0]  }
0x2: {  	s4 =	rddreg [dreg:$0x1]  }
0x3: {  	s2 =	rddreg [dreg:$0x2]  }
0x4: {  	s0 =	rddreg [dreg:$0x3]  }
0x5: {  	s5 =	srdreg.scid;
	s1 =	stileid.u32  }
0x6: {  	s3 =	simm.s32 $0x0;
	s12 =	simm.s32 $0x80;
	s15 =	simm.s32 $0x20  }
0x7: {  	s16 =	simm.s32 $0x10;
	s17 =	simm.s32 $0x0;
	s5 =	sand.u32 $0x1, s5  }
0x8: {  	s7 =	sshll.u32 s1, $0x1;
	[smem:$0x7FF] =	sst s3;
	s8 =	smul.u32 $0x500, s1  }
0x9: {  	s30 =	smul.u32 $0xA00, s1;
	s13 =	sshll.u32 s1, $0x6;
	s7 =	sor.u32 s5, s7  }
0xa: {  	_ =	strace $0x80000047;
	s9 =	sshll.u32 s5, $0x7;
	s5 =	ssub.s32 $0x2, s5  }
0xb: {  	s13 =	sor.u32 $0x1C01, s13;
	s7 =	smul.u32 $0x500, s7;
	s8 =	sor.u32 s9, s8  }
0xc: {  	s11 =	sshrl.u32 s5, $0x1;
	s31 =	sshrl.u32 s30, $0x2;
	s9 =	simm.s32 $0x5000  }
0xd: {  	s8 =	sshrl.u32 s8, $0x3;
	s11 =	ssub.s32 s5, s11;
	s10 =	sadd.s32 s7, s4  }
0xe: {  	s8 =	sadd.s32 s8, s4;
	s4 =	sadd.s32 s31, s2;
	s6 =	sadd.s32 s6, s7  }
0xf: {  	s5 =	sadd.s32 $0x1E00, s10;
	s7 =	sadd.s32 $0xBE00, s8;
	s8 =	smax.u32 s11, $0x1  }
0x10: {  	v0 =	vimm.f32 $0.0e+00;
	s10 =	simm.s32 $0x1;
	s11 =	simm.s32 $0x2800;
	s14 =	sshrl.u32 s4, $0x3  }
.LBB2_1:
0x11: {  	[tilespmem:$0x5000] =	vst v0  }
0x12: {  	[tilespmem:$0x5010] =	vst v0  }
0x13: {  	[tilespmem:$0x5020] =	vst v0  }
0x14: {  	[tilespmem:$0x5030] =	vst v0  }
0x15: {  	[tilespmem:$0x5040] =	vst v0  }
0x16: {  	[tilespmem:$0x5050] =	vst v0  }
0x17: {  	[tilespmem:$0x5060] =	vst v0  }
0x18: {  	[tilespmem:$0x5070] =	vst v0  }
0x19: {  	[tilespmem:$0x5080] =	vst v0  }
0x1a: {  	[tilespmem:$0x5090] =	vst v0  }
0x1b: {  	[tilespmem:$0x50A0] =	vst v0  }
0x1c: {  	[tilespmem:$0x50B0] =	vst v0  }
0x1d: {  	[tilespmem:$0x50C0] =	vst v0  }
0x1e: {  	[tilespmem:$0x50D0] =	vst v0  }
0x1f: {  	[tilespmem:$0x50E0] =	vst v0  }
0x20: {  	[tilespmem:$0x50F0] =	vst v0  }
0x21: {  	[tilespmem:$0x5100] =	vst v0  }
0x22: {  	[tilespmem:$0x5110] =	vst v0  }
0x23: {  	[tilespmem:$0x5120] =	vst v0  }
0x24: {  	[tilespmem:$0x5130] =	vst v0  }
0x25: {  	[tilespmem:$0x5140] =	vst v0  }
0x26: {  	[tilespmem:$0x5150] =	vst v0  }
0x27: {  	[tilespmem:$0x5160] =	vst v0  }
0x28: {  	[tilespmem:$0x5170] =	vst v0  }
0x29: {  	[tilespmem:$0x5180] =	vst v0  }
0x2a: {  	[tilespmem:$0x5190] =	vst v0  }
0x2b: {  	[tilespmem:$0x51A0] =	vst v0  }
0x2c: {  	[tilespmem:$0x51B0] =	vst v0  }
0x2d: {  	[tilespmem:$0x51C0] =	vst v0  }
0x2e: {  	[tilespmem:$0x51D0] =	vst v0  }
0x2f: {  	[tilespmem:$0x51E0] =	vst v0  }
0x30: {  	[tilespmem:$0x51F0] =	vst v0  }
0x31: {  	[tilespmem:$0x5200] =	vst v0  }
0x32: {  	[tilespmem:$0x5210] =	vst v0  }
0x33: {  	[tilespmem:$0x5220] =	vst v0  }
0x34: {  	[tilespmem:$0x5230] =	vst v0  }
0x35: {  	[tilespmem:$0x5240] =	vst v0  }
0x36: {  	[tilespmem:$0x5250] =	vst v0  }
0x37: {  	[tilespmem:$0x5260] =	vst v0  }
0x38: {  	[tilespmem:$0x5270] =	vst v0  }
0x39: {  	[spmem:s4] =	stream.linear.scatter [tilespmem:s9], [sflag:$0x1], $0x280, $0x38;
	[tilespmem:$0x5500] =	vst v63  }
0x3a: {  	_ =	swait.ge [sflag:s10], $0x280  }
0x3b: {  	[sflag:s10] =	ssyncset.done $0x0  }
0x3c: {  	[sflag:s10] =	ssyncadd.s32 $0xFFFFFD80  }
0x3d: {  	[bflag:$0x0] =	sbarrier.arrive $0xFFFF  }
0x3e: {  	[tilespmem:s3], [sflag:$0x1] =	stream.linear.gather [hbm4b:s5+s3], $0x2780, $0x38;
	[tilespmem:$0x5500] =	vst v63  }
0x3f: {  	_ =	swait.ge [sflag:s10], $0x2780  }
0x40: {  	[sflag:s10] =	ssyncset.done $0x0  }
0x41: {  	[sflag:s10] =	ssyncadd.s32 $0xFFFFD880  }
0x42: {  	[tilespmem:s11], [sflag:$0x1] =	stream.linear.gather [hbm4b:s6+s3], $0x2780, $0x38;
	[tilespmem:$0x5500] =	vst v63  }
0x43: {  	_ =	swait.ge [sflag:s10], $0x2780  }
0x44: {  	[sflag:s10] =	ssyncset.done $0x0  }
0x45: {  	s18 =	simm.s32 $0x0;
	s19 =	simm.s32 $0x2800;
	[sflag:s10] =	ssyncadd.s32 $0xFFFFD880  }
0x46: {  	[spmem:s2] =	stream.indirect.scatter.add.f32 [tilespmem:s19], [sflag:$0x1], $0x1, s18, s12, $0xb8;
	[tilespmem:$0x5500] =	vst v63  }
0x47: {  	s18 =	simm.s32 $0x200;
	_ =	swait.ge [sflag:s10], $0x80  }
.LBB2_2:
0x48: {  	s19 =	sshra.s32 s18, $0x2;
	[sflag:s10] =	ssyncset.done $0x0;
	p0 =	sne.s32 s18, $0x9C00  }
.Ltmp0:
0x49: {  	s20 =	sadd.s32 $0x2800, s19;
	[sflag:s10] =	ssyncadd.s32 $0xFFFFFF80;
	(pc) =	sbr.rel @p0 .LBB2_2-.Ltmp0, $3  }
0x4a: {  	[spmem:s2] =	stream.indirect.scatter.add.f32 [tilespmem:s20], [sflag:$0x1], $0x1, s19, s12, $0xb8;
	[tilespmem:$0x5500] =	vst v63  }
0x4b: {  	s18 =	sadd.s32 $0x200, s18;
	_ =	sdelay $0x1  }
0x4c: {  	_ =	swait.ge [sflag:s10], $0x80  }
0x4d: {  	[sflag:s10] =	ssyncset.done $0x0;
	s17 =	sadd.s32 $0x1, s17  }
0x4e: {  	[sflag:s10] =	ssyncadd.s32 $0xFFFFFF80;
	p0 =	sne.s32 s17, s8  }
.Ltmp1:
0x4f: {  	[bflag:$0x0] =	sbarrier.arrive $0xFFFF;
	(pc) =	sbr.rel @p0 .LBB2_1-.Ltmp1, $4  }
0x50: {  	[hbm:s7@s15], [sflag:s13] =	dma.strided [spmem:s14@s16], $0x50, s10, $0x10   }
0x51: {  	_ =	swait.ge [sflag:s10], $0x50  }
0x52: {  	[sflag:s10] =	ssyncset.done $0x0  }
0x53: {  	[sflag:s10] =	ssyncadd.s32 $0xFFFFFFB0  }
0x54: {  	_ =	sfence.sel $0x180000  }
0x55: {  	[bflag:$0x0] =	sbarrier.arrive $0xFFFF  }
0x56: {  	p0 =	sne.s32 s1, $0x0;
	_ =	strace $0x90000047  }
0x57: {  	s0 =	sadd.s32 @!p0 $0x100000, s0;
	[bflag:$0x2] =	sbarrier.arrive $0xFFFF  }
0x58: {  	[sflag:s0] =	ssyncadd.tile.s32 @!p0 $0x1;
	_ =	shalt  }
.Lfunc_end2:
_tile_overlayer_lowered:
.L_overlay_start_2:
0x59: {  	(tag) =	ssettag $0x2  }
0x5a: {  	s0 =	rddreg [dreg:$0x0];
	s2 =	stileid.u32  }
0x5b: {  	s1 =	rddreg [dreg:$0x1];
	p0 =	sne.s32 s2, $0x0  }
0x5c: {  	s3 =	rddreg [dreg:$0x2];
	[bflag:$0x3] =	sbarrier.arrive $0xFFFF;
	s2 =	simm.s32 @!p0 $0x1C01  }
0x5d: {  	[timem:s3], [sflag:s2] =	dma.local @!p0 [hbm:s0], s1  }
0x5e: {  	s0 =	simm.s32 @!p0 $0x1  }
0x5f: {  	_ =	swait.ge @!p0 [sflag:s0], s1  }
0x60: {  	s1 =	ssub.s32 @!p0 $0x0, s1;
	[sflag:s0] =	ssyncset.done @!p0 $0x0  }
0x61: {  	[sflag:s0] =	ssyncadd.s32 @!p0 s1  }
0x62: {  	[bflag:$0x3] =	sbarrier.arrive $0xFFFF  }
0x63: {  	_ =	shalt  }

</sc_bundles>
